<compile_context>
chip_gen: v7x
topology: tpu7x:2x2x1
jax: 0.10.2.dev20260603
libtpu: 0.0.44.dev20260713+nightly
codegen_flags: <defaults>
</compile_context>

<pallas_src>
import functools

import jax
import jax.numpy as jnp
from jax import lax
from jax.experimental import pallas as pl
from jax.experimental.pallas import tpu as pltpu
from jax.experimental.pallas import tpu_sc as plsc

NC = 2
NS = 16
NW = NC * NS
CHUNK = 128
NBUF = 4


def _mesh():
    return plsc.VectorSubcoreMesh(core_axis_name="c", subcore_axis_name="s")


def _make_degree_kernel(n_pad, e):
    rows_per_tile = n_pad // NS
    epw = e // NW
    kfull, rem = divmod(epw, CHUNK)
    assert rows_per_tile % 8 == 0 and e % NW == 0 and epw % 8 == 0
    assert rem % 8 == 0

    @functools.partial(
        pl.kernel,
        out_type=jax.ShapeDtypeStruct((NC, 2, n_pad * 16), jnp.float32),
        mesh=_mesh(),
        scratch_types=[
            pltpu.VMEM((epw,), jnp.int32),
            pltpu.VMEM((epw,), jnp.int32),
            pltpu.VMEM((CHUNK,), jnp.float32),
            pltpu.VMEM((rows_per_tile,), jnp.float32),
            pltpu.VMEM((rows_per_tile * 16,), jnp.float32),
            pltpu.VMEM((((rows_per_tile + 15) // 16) * 16,), jnp.float32),
            pltpu.VMEM_SHARED((n_pad,), jnp.float32),
            pltpu.VMEM_SHARED((n_pad,), jnp.float32),
            pltpu.SemaphoreType.DMA,
        ],
        compiler_params=pltpu.CompilerParams(use_tc_tiling_on_sc=False,
                                             needs_layout_passes=False),
    )
    def deg_kernel(edge_hbm, out_hbm,
                   src_v, dst_v, ones_v, dscal_v, exp_v, zscal_v,
                   acc_o, acc_i, sem):
        cid = lax.axis_index("c")
        sid = lax.axis_index("s")
        wid = sid * NC + cid
        row0 = sid * rows_per_tile

        def zfill(i, carry):
            zscal_v[pl.ds(i * 16, 16)] = jnp.zeros((16,), jnp.float32)
            return carry
        lax.fori_loop(0, zscal_v.shape[0] // 16, zfill, 0)

        def ofill(i, carry):
            ones_v[pl.ds(i * 16, 16)] = jnp.ones((16,), jnp.float32)
            return carry
        lax.fori_loop(0, CHUNK // 16, ofill, 0)

        pltpu.sync_copy(zscal_v.at[pl.ds(0, rows_per_tile)],
                        acc_o.at[pl.ds(row0, rows_per_tile)])
        pltpu.sync_copy(zscal_v.at[pl.ds(0, rows_per_tile)],
                        acc_i.at[pl.ds(row0, rows_per_tile)])
        pltpu.sync_copy(edge_hbm.at[pl.ds(wid * epw, epw)], src_v)
        pltpu.sync_copy(edge_hbm.at[pl.ds(e + wid * epw, epw)], dst_v)
        plsc.subcore_barrier()

        def fire(j, carry):
            off = pl.multiple_of(j * CHUNK, 8)
            pltpu.async_copy(ones_v, acc_o.at[src_v.at[pl.ds(off, CHUNK)]],
                             sem, add=True)
            pltpu.async_copy(ones_v, acc_i.at[dst_v.at[pl.ds(off, CHUNK)]],
                             sem, add=True)
            return carry
        lax.fori_loop(0, kfull, fire, 0)
        if rem:
            t0 = kfull * CHUNK
            pltpu.async_copy(ones_v.at[pl.ds(0, rem)],
                             acc_o.at[src_v.at[pl.ds(t0, rem)]],
                             sem, add=True)
            pltpu.async_copy(ones_v.at[pl.ds(0, rem)],
                             acc_i.at[dst_v.at[pl.ds(t0, rem)]],
                             sem, add=True)

        def drain(j, carry):
            off = pl.multiple_of(j * CHUNK, 8)
            pltpu.make_async_copy(
                ones_v, acc_o.at[src_v.at[pl.ds(off, CHUNK)]], sem).wait()
            pltpu.make_async_copy(
                ones_v, acc_i.at[dst_v.at[pl.ds(off, CHUNK)]], sem).wait()
            return carry
        lax.fori_loop(0, kfull, drain, 0)
        if rem:
            t0 = kfull * CHUNK
            pltpu.make_async_copy(ones_v.at[pl.ds(0, rem)],
                                  acc_o.at[src_v.at[pl.ds(t0, rem)]],
                                  sem).wait()
            pltpu.make_async_copy(ones_v.at[pl.ds(0, rem)],
                                  acc_i.at[dst_v.at[pl.ds(t0, rem)]],
                                  sem).wait()
        plsc.subcore_barrier()

        for half, acc in ((0, acc_o), (1, acc_i)):
            pltpu.sync_copy(acc.at[pl.ds(row0, rows_per_tile)], dscal_v)

            def expand(r, carry):
                idx = jnp.full((16,), r, jnp.int32)
                off = pl.multiple_of(r * 16, 16)
                exp_v[pl.ds(off, 16)] = plsc.load_gather(dscal_v, [idx])
                return carry
            lax.fori_loop(0, rows_per_tile, expand, 0)
            pltpu.sync_copy(
                exp_v,
                out_hbm.at[cid, half,
                           pl.ds(row0 * 16, rows_per_tile * 16)])

    return deg_kernel


def _make_agg_kernel(n_pad, e, f):
    rows_per_tile = n_pad // NS
    epw = e // NW
    k, rem = divmod(epw, CHUNK)
    assert rows_per_tile % 8 == 0 and e % NW == 0 and epw % 8 == 0
    assert rem % 8 == 0

    @functools.partial(
        pl.kernel,
        out_type=jax.ShapeDtypeStruct((NC, n_pad, f), jnp.float32),
        mesh=_mesh(),
        scratch_types=[
            pltpu.VMEM((epw,), jnp.int32),
            pltpu.VMEM((epw,), jnp.int32),
            pltpu.VMEM((NBUF, CHUNK, f), jnp.float32),
            pltpu.VMEM((rows_per_tile, f), jnp.float32),
            pltpu.VMEM_SHARED((n_pad, f), jnp.float32),
            pltpu.VMEM_SHARED((n_pad, f), jnp.float32),
            pltpu.SemaphoreType.DMA((NBUF,)),
        ],
        compiler_params=pltpu.CompilerParams(use_tc_tiling_on_sc=False),
    )
    def agg_kernel(h_hbm, edge_hbm, out_hbm,
                   src_v, dst_v, buf, zbuf, acc, h_spm, gsem):
        cid = lax.axis_index("c")
        sid = lax.axis_index("s")
        wid = sid * NC + cid
        row0 = sid * rows_per_tile

        def zfill(i, carry):
            zbuf[i, :] = jnp.zeros((f,), jnp.float32)
            return carry
        lax.fori_loop(0, rows_per_tile, zfill, 0)
        pltpu.sync_copy(zbuf, acc.at[pl.ds(row0, rows_per_tile)])

        pltpu.sync_copy(h_hbm.at[pl.ds(row0, rows_per_tile)],
                        h_spm.at[pl.ds(row0, rows_per_tile)])
        pltpu.sync_copy(edge_hbm.at[pl.ds(wid * epw, epw)], src_v)
        pltpu.sync_copy(edge_hbm.at[pl.ds(e + wid * epw, epw)], dst_v)
        plsc.subcore_barrier()

        pltpu.async_copy(h_spm.at[src_v.at[pl.ds(0, CHUNK)]],
                         buf.at[0], gsem.at[0])

        def body(j, carry):
            @pl.when(j + 1 < k)
            def _():
                noff = pl.multiple_of((j + 1) * CHUNK, 8)
                nslot = lax.rem(j + 1, NBUF)
                pltpu.async_copy(h_spm.at[src_v.at[pl.ds(noff, CHUNK)]],
                                 buf.at[nslot], gsem.at[nslot])
            off = pl.multiple_of(j * CHUNK, 8)
            slot = lax.rem(j, NBUF)
            pltpu.make_async_copy(h_spm.at[src_v.at[pl.ds(off, CHUNK)]],
                                  buf.at[slot], gsem.at[slot]).wait()
            pltpu.sync_copy(buf.at[slot],
                            acc.at[dst_v.at[pl.ds(off, CHUNK)]], add=True)
            return carry

        lax.fori_loop(0, k, body, 0)
        if rem:
            t0 = k * CHUNK
            pltpu.sync_copy(h_spm.at[src_v.at[pl.ds(t0, rem)]],
                            buf.at[k % NBUF, pl.ds(0, rem)])
            pltpu.sync_copy(buf.at[k % NBUF, pl.ds(0, rem)],
                            acc.at[dst_v.at[pl.ds(t0, rem)]], add=True)
        plsc.subcore_barrier()

        pltpu.sync_copy(
            acc.at[pl.ds(row0, rows_per_tile)],
            out_hbm.at[cid, pl.ds(row0, rows_per_tile)])

    return agg_kernel


def _tc_matmul(x, w, n_pad, bm):
    n, kin = x.shape
    f = w.shape[1]
    assert n_pad % bm == 0 and bm % 8 == 0

    def body(x_ref, w_ref, o_ref):
        o_ref[...] = lax.dot_general(
            x_ref[...], w_ref[...], (((1,), (0,)), ((), ())),
            preferred_element_type=jnp.float32)

    return pl.pallas_call(
        body,
        grid=(n_pad // bm,),
        in_specs=[pl.BlockSpec((bm, kin), lambda i: (i, 0)),
                  pl.BlockSpec((kin, f), lambda i: (0, 0))],
        out_specs=pl.BlockSpec((bm, f), lambda i: (i, 0)),
        out_shape=jax.ShapeDtypeStruct((n_pad, f), jnp.float32),
    )(x, w)


def _tc_edge_flatten(edge_index):
    two, e = edge_index.shape

    def body(x_ref, o_ref):
        o_ref[pl.ds(0, e)] = x_ref[0, :]
        o_ref[pl.ds(e, e)] = x_ref[1, :]

    return pl.pallas_call(
        body,
        out_shape=jax.ShapeDtypeStruct((two * e,), jnp.int32),
    )(edge_index)


def _tc_scale_flat(yf, degf):
    nf, _ = yf.shape

    def body(y_ref, d_ref, o_ref):
        d = d_ref[0, 0] + d_ref[1, 0]
        o_ref[...] = y_ref[...] * lax.rsqrt(jnp.maximum(d, 1.0))

    return pl.pallas_call(
        body,
        out_shape=jax.ShapeDtypeStruct((nf, 128), jnp.float32),
    )(yf, degf)


def _tc_relu_rescale(af, degf, b1):
    _, nf, _ = af.shape

    def body(a_ref, d_ref, b_ref, o_ref):
        a = a_ref[0] + a_ref[1]
        do = d_ref[0, 0] + d_ref[1, 0]
        di = d_ref[0, 1] + d_ref[1, 1]
        h = jnp.maximum(a * lax.rsqrt(jnp.maximum(di, 1.0)) + b_ref[...], 0.0)
        o_ref[...] = h * lax.rsqrt(jnp.maximum(do, 1.0))

    return pl.pallas_call(
        body,
        out_shape=jax.ShapeDtypeStruct((nf, 128), jnp.float32),
    )(af, degf, b1)


def _tc_final_flat(af, degf, w2bd, b2t, n):
    fo8 = w2bd.shape[1]
    assert n % 8 == 0
    nr = n // 8

    def body(a_ref, d_ref, w_ref, b_ref, o_ref):
        a = a_ref[0, :nr, :] + a_ref[1, :nr, :]
        di = d_ref[0, 1, :nr, :] + d_ref[1, 1, :nr, :]
        hf = a * lax.rsqrt(jnp.maximum(di, 1.0))
        res = lax.dot_general(hf, w_ref[...], (((1,), (0,)), ((), ())),
                              preferred_element_type=jnp.float32)
        o_ref[...] = res + b_ref[...]

    return pl.pallas_call(
        body,
        out_shape=jax.ShapeDtypeStruct((nr, fo8), jnp.float32),
    )(af, degf, w2bd, b2t)


def kernel(features, edge_index, W1, b1, W2, b2):
    n, _ = features.shape
    e = edge_index.shape[1]
    n_pad = ((n + 8 * NS - 1) // (8 * NS)) * (8 * NS)
    nf = n_pad // 8

    edge_flat = _tc_edge_flatten(edge_index)

    deg = _make_degree_kernel(n_pad, e)(edge_flat)
    degf = deg.reshape(NC, 2, nf, 128)
    y = _tc_matmul(features, W1, n_pad, bm=1264)
    h1f = _tc_scale_flat(y.reshape(nf, 128), degf)

    agg16 = _make_agg_kernel(n_pad, e, 16)
    b1t = jnp.tile(b1, 8).reshape(1, 128)
    a1 = agg16(h1f.reshape(n_pad, 16), edge_flat)
    scaledf = _tc_relu_rescale(a1.reshape(NC, nf, 128), degf, b1t)
    a2 = agg16(scaledf.reshape(n_pad, 16), edge_flat)

    fo = W2.shape[1]
    w2bd = jnp.kron(jnp.eye(8, dtype=jnp.float32), W2)
    b2t = jnp.tile(b2, 8).reshape(1, 8 * fo)
    res = _tc_final_flat(a2.reshape(NC, nf, 128), degf, w2bd, b2t, n)
    return res.reshape(n, fo)

# --- scband reference (transcript-rebuilt; emitter-appended) ---
"""Pipeline reference for scband-net-30820685316464 (READ-ONLY COPY).

The authoritative reference and input builder live on the scoring server;
editing this copy changes nothing except your own understanding.
"""

import jax, jax.numpy as jnp
import numpy as np

N_NODES = 10000
N_EDGES = 160000
IN_FEATS = 500
HID_FEATS = 16
OUT_FEATS = 3


def setup_inputs(seed: int = 0) -> dict:
    key = jax.random.key(seed)
    k1, k2, k3, k4 = jax.random.split(key, 4)
    features = jax.random.normal(k1, (N_NODES, IN_FEATS), dtype=jnp.float32)
    edge_index = jax.random.randint(k2, (2, N_EDGES), 0, N_NODES, dtype=jnp.int32)
    W1 = jax.random.normal(k3, (IN_FEATS, HID_FEATS), dtype=jnp.float32) * (1.0 / np.sqrt(IN_FEATS))
    b1 = jnp.zeros((HID_FEATS,), dtype=jnp.float32)
    W2 = jax.random.normal(k4, (HID_FEATS, OUT_FEATS), dtype=jnp.float32) * (1.0 / np.sqrt(HID_FEATS))
    b2 = jnp.zeros((OUT_FEATS,), dtype=jnp.float32)
    return {"features": features, "edge_index": edge_index, "W1": W1, "b1": b1, "W2": W2, "b2": b2}


def _gcn_layer(x, src, dst, W, b, n):
    # DGL GraphConv with norm='both':
    # h = D_in^{-1/2} A (D_out^{-1/2} x) W + b, degrees clamped to >= 1
    ones = jnp.ones((src.shape[0],), dtype=x.dtype)
    deg_out = jnp.maximum(jax.ops.segment_sum(ones, src, num_segments=n), 1.0)
    deg_in = jnp.maximum(jax.ops.segment_sum(ones, dst, num_segments=n), 1.0)
    h = x * (deg_out ** -0.5)[:, None]
    # apply weight before aggregation (in_feats > out_feats for both layers)
    h = h @ W
    msg = jnp.take(h, src, axis=0)
    agg = jax.ops.segment_sum(msg, dst, num_segments=n)
    agg = agg * (deg_in ** -0.5)[:, None]
    return agg + b


def reference(features, edge_index, W1, b1, W2, b2):
    src = edge_index[0]
    dst = edge_index[1]
    n = features.shape[0]
    h = jax.nn.relu(_gcn_layer(features, src, dst, W1, b1, n))
    out = _gcn_layer(h, src, dst, W2, b2, n)
    return out

if __name__ == "__main__":
    import jax
    _d = setup_inputs()
    print(jax.jit(kernel)(*tuple(_d.values())))

</pallas_src>

<mosaic_0001>
#map = affine_map<(d0, d1) -> (0, 0)>
#map1 = affine_map<(d0, d1) -> (0)>
#map2 = affine_map<(d0, d1) -> (0, 0, 0)>
module attributes {stable_mosaic.version = 14 : i64} {
  func.func @agg_kernel(%arg0: i32, %arg1: i32, %arg2: memref<10112x16xf32, #tpu.memory_space<hbm>>, %arg3: memref<320000xi32, #tpu.memory_space<hbm>>, %arg4: memref<2x10112x16xf32, #tpu.memory_space<hbm>>, %arg5: memref<5000xi32, #tpu.memory_space<vmem>>, %arg6: memref<5000xi32, #tpu.memory_space<vmem>>, %arg7: memref<4x128x16xf32, #tpu.memory_space<vmem>>, %arg8: memref<632x16xf32, #tpu.memory_space<vmem>>, %arg9: memref<10112x16xf32, #tpu.memory_space<vmem_shared>>, %arg10: memref<10112x16xf32, #tpu.memory_space<vmem_shared>>, %arg11: memref<4x!tpu.dma_semaphore, #tpu.memory_space<semaphore_mem>>) attributes {dimension_semantics = [#tpu.dimension_semantics<core_parallel>, #tpu.dimension_semantics<subcore_parallel>], iteration_bounds = array<i64: 2, 16>, scalar_prefetch = 0 : i64, scratch_operands = 7 : i64, tpu.core_type = #tpu.core_type<sc_vector_subcore>, window_params = [{transform_indices = #map}, {transform_indices = #map1}, {transform_indices = #map2}]} {
    %mul3A = arith.constant 2 : i32
    %mul3A_0 = arith.muli %arg1, %mul3A : i32
    %add3A = arith.addi %mul3A_0, %arg0 : i32
    %mul3A_1 = arith.constant 632 : i32
    %mul3A_2 = arith.muli %arg1, %mul3A_1 : i32
    %scan3A = arith.constant 0 : i32
    %scan3A_3 = arith.constant 0 : i32
    %scan3A_4 = arith.constant 632 : i32
    %scan3A_5 = arith.addi %scan3A_3, %scan3A_4 : i32
    %scan3A_6 = arith.constant 1 : i32
    scf.for %scan3A_34 = %scan3A_3 to %scan3A_5 step %scan3A_6  : i32 {
      %broadcast_in_dim3A = arith.constant 0.000000e+00 : f32
      %broadcast_in_dim3A_35 = vector.broadcast %broadcast_in_dim3A : f32 to vector<16xf32>
      %swap3A = arith.index_cast %scan3A_34 : i32 to index
      %swap3A_36 = arith.constant 0 : index
      %swap3A_37 = tpu.vector_load %arg8[%swap3A, %swap3A_36] {strides = array<i32>} : memref<632x16xf32, #tpu.memory_space<vmem>>, vector<1x16xf32>,
      %swap3A_38 = vector.shape_cast %swap3A_37 : vector<1x16xf32> to vector<16xf32>
      %swap3A_39 = vector.shape_cast %broadcast_in_dim3A_35 : vector<16xf32> to vector<1x16xf32>
      tpu.vector_store %arg8[%swap3A, %swap3A_36], %swap3A_39 {strides = array<i32>} : memref<632x16xf32, #tpu.memory_space<vmem>>, vector<1x16xf32>,
    }
    %scan3A_7 = arith.constant 632 : i32
    "tpu.region"() ({
      %run_scoped3A_34 = tpu.sem_alloc : memref<!tpu.dma_semaphore, #tpu.memory_space<semaphore_mem>>
      %dma_start3A_35 = arith.constant 0 : i32
      %dma_start3A_36 = tpu.memref_slice %arg9[%mul3A_2, %dma_start3A_35] : memref<10112x16xf32, #tpu.memory_space<vmem_shared>> -> memref<632x16xf32, #tpu.memory_space<vmem_shared>>
      %dma_start3A_37 = arith.constant 0 : i32
      %dma_start3A_38 = tpu.memref_slice %arg9[%mul3A_2, %dma_start3A_37] : memref<10112x16xf32, #tpu.memory_space<vmem_shared>> -> memref<632x16xf32, #tpu.memory_space<vmem_shared>>
      tpu.enqueue_dma source(%arg8 : memref<632x16xf32, #tpu.memory_space<vmem>>) target(%dma_start3A_38 : memref<632x16xf32, #tpu.memory_space<vmem_shared>>) target_semaphore(%run_scoped3A_34 : memref<!tpu.dma_semaphore, #tpu.memory_space<semaphore_mem>>)
      %dma_wait3A = arith.constant 0 : i32
      %dma_wait3A_39 = tpu.memref_slice %arg9[%mul3A_2, %dma_wait3A] : memref<10112x16xf32, #tpu.memory_space<vmem_shared>> -> memref<632x16xf32, #tpu.memory_space<vmem_shared>>
      %dma_wait3A_40 = arith.constant 0 : i32
      %dma_wait3A_41 = tpu.memref_slice %arg9[%mul3A_2, %dma_wait3A_40] : memref<10112x16xf32, #tpu.memory_space<vmem_shared>> -> memref<632x16xf32, #tpu.memory_space<vmem_shared>>
      tpu.wait_dma2 semaphore(%run_scoped3A_34 : memref<!tpu.dma_semaphore, #tpu.memory_space<semaphore_mem>>) src(%arg8 : memref<632x16xf32, #tpu.memory_space<vmem>>) dst(%dma_wait3A_41 : memref<632x16xf32, #tpu.memory_space<vmem_shared>>)
      tpu.yield
    }) : () -> ()
    "tpu.region"() ({
      %run_scoped3A_34 = tpu.sem_alloc : memref<!tpu.dma_semaphore, #tpu.memory_space<semaphore_mem>>
      %dma_start3A_35 = arith.constant 0 : i32
      %dma_start3A_36 = tpu.memref_slice %arg10[%mul3A_2, %dma_start3A_35] : memref<10112x16xf32, #tpu.memory_space<vmem_shared>> -> memref<632x16xf32, #tpu.memory_space<vmem_shared>>
      %dma_start3A_37 = arith.constant 0 : i32
      %dma_start3A_38 = tpu.memref_slice %arg2[%mul3A_2, %dma_start3A_37] : memref<10112x16xf32, #tpu.memory_space<hbm>> -> memref<632x16xf32, #tpu.memory_space<hbm>>
      tpu.enqueue_dma source(%dma_start3A_38 : memref<632x16xf32, #tpu.memory_space<hbm>>) target(%dma_start3A_36 : memref<632x16xf32, #tpu.memory_space<vmem_shared>>) target_semaphore(%run_scoped3A_34 : memref<!tpu.dma_semaphore, #tpu.memory_space<semaphore_mem>>)
      %dma_wait3A = arith.constant 0 : i32
      %dma_wait3A_39 = tpu.memref_slice %arg10[%mul3A_2, %dma_wait3A] : memref<10112x16xf32, #tpu.memory_space<vmem_shared>> -> memref<632x16xf32, #tpu.memory_space<vmem_shared>>
      %dma_wait3A_40 = arith.constant 0 : i32
      %dma_wait3A_41 = tpu.memref_slice %arg2[%mul3A_2, %dma_wait3A_40] : memref<10112x16xf32, #tpu.memory_space<hbm>> -> memref<632x16xf32, #tpu.memory_space<hbm>>
      tpu.wait_dma2 semaphore(%run_scoped3A_34 : memref<!tpu.dma_semaphore, #tpu.memory_space<semaphore_mem>>) src(%dma_wait3A_41 : memref<632x16xf32, #tpu.memory_space<hbm>>) dst(%dma_wait3A_39 : memref<632x16xf32, #tpu.memory_space<vmem_shared>>)
      tpu.yield
    }) : () -> ()
    %mul3A_8 = arith.constant 5000 : i32
    %mul3A_9 = arith.muli %add3A, %mul3A_8 : i32
    "tpu.region"() ({
      %run_scoped3A_34 = tpu.sem_alloc : memref<!tpu.dma_semaphore, #tpu.memory_space<semaphore_mem>>
      %dma_start3A_35 = tpu.memref_slice %arg3[%mul3A_9] : memref<320000xi32, #tpu.memory_space<hbm>> -> memref<5000xi32, #tpu.memory_space<hbm>>
      %dma_start3A_36 = tpu.memref_slice %arg3[%mul3A_9] : memref<320000xi32, #tpu.memory_space<hbm>> -> memref<5000xi32, #tpu.memory_space<hbm>>
      tpu.enqueue_dma source(%dma_start3A_36 : memref<5000xi32, #tpu.memory_space<hbm>>) target(%arg5 : memref<5000xi32, #tpu.memory_space<vmem>>) target_semaphore(%run_scoped3A_34 : memref<!tpu.dma_semaphore, #tpu.memory_space<semaphore_mem>>)
      %dma_wait3A = tpu.memref_slice %arg3[%mul3A_9] : memref<320000xi32, #tpu.memory_space<hbm>> -> memref<5000xi32, #tpu.memory_space<hbm>>
      %dma_wait3A_37 = tpu.memref_slice %arg3[%mul3A_9] : memref<320000xi32, #tpu.memory_space<hbm>> -> memref<5000xi32, #tpu.memory_space<hbm>>
      tpu.wait_dma2 semaphore(%run_scoped3A_34 : memref<!tpu.dma_semaphore, #tpu.memory_space<semaphore_mem>>) src(%dma_wait3A_37 : memref<5000xi32, #tpu.memory_space<hbm>>) dst(%arg5 : memref<5000xi32, #tpu.memory_space<vmem>>)
      tpu.yield
    }) : () -> ()
    %mul3A_10 = arith.constant 5000 : i32
    %mul3A_11 = arith.muli %add3A, %mul3A_10 : i32
    %add3A_12 = arith.constant 160000 : i32
    %add3A_13 = arith.addi %add3A_12, %mul3A_11 : i32
    "tpu.region"() ({
      %run_scoped3A_34 = tpu.sem_alloc : memref<!tpu.dma_semaphore, #tpu.memory_space<semaphore_mem>>
      %dma_start3A_35 = tpu.memref_slice %arg3[%add3A_13] : memref<320000xi32, #tpu.memory_space<hbm>> -> memref<5000xi32, #tpu.memory_space<hbm>>
      %dma_start3A_36 = tpu.memref_slice %arg3[%add3A_13] : memref<320000xi32, #tpu.memory_space<hbm>> -> memref<5000xi32, #tpu.memory_space<hbm>>
      tpu.enqueue_dma source(%dma_start3A_36 : memref<5000xi32, #tpu.memory_space<hbm>>) target(%arg6 : memref<5000xi32, #tpu.memory_space<vmem>>) target_semaphore(%run_scoped3A_34 : memref<!tpu.dma_semaphore, #tpu.memory_space<semaphore_mem>>)
      %dma_wait3A = tpu.memref_slice %arg3[%add3A_13] : memref<320000xi32, #tpu.memory_space<hbm>> -> memref<5000xi32, #tpu.memory_space<hbm>>
      %dma_wait3A_37 = tpu.memref_slice %arg3[%add3A_13] : memref<320000xi32, #tpu.memory_space<hbm>> -> memref<5000xi32, #tpu.memory_space<hbm>>
      tpu.wait_dma2 semaphore(%run_scoped3A_34 : memref<!tpu.dma_semaphore, #tpu.memory_space<semaphore_mem>>) src(%dma_wait3A_37 : memref<5000xi32, #tpu.memory_space<hbm>>) dst(%arg6 : memref<5000xi32, #tpu.memory_space<vmem>>)
      tpu.yield
    }) : () -> ()
    %barrier3A = arith.constant 0 : index
    tpu.barrier barrier_id(%barrier3A)
    %dma_start3A = arith.constant 0 : i32
    %dma_start3A_14 = arith.constant 0 : i32
    %dma_start3A_15 = arith.constant 0 : i32
    %dma_start3A_16 = arith.constant 0 : i32
    %dma_start3A_17 = tpu.memref_slice %arg7[%dma_start3A, %dma_start3A_15, %dma_start3A_16] : memref<4x128x16xf32, #tpu.memory_space<vmem>> -> memref<1x128x16xf32, #tpu.memory_space<vmem>>
    %dma_start3A_18 = tpu.memref_squeeze %dma_start3A_17 : memref<1x128x16xf32, #tpu.memory_space<vmem>> -> memref<128x16xf32, #tpu.memory_space<vmem>>
    %dma_start3A_19 = arith.constant 0 : i32
    %dma_start3A_20 = tpu.memref_slice %arg5[%dma_start3A_19] : memref<5000xi32, #tpu.memory_space<vmem>> -> memref<128xi32, #tpu.memory_space<vmem>>
    %dma_start3A_21 = arith.constant 0 : i32
    %dma_start3A_22 = arith.constant 0 : i32
    %dma_start3A_23 = tpu.memref_slice %arg10[%dma_start3A_21, %dma_start3A_22] : memref<10112x16xf32, #tpu.memory_space<vmem_shared>> -> memref<10112x16xf32, #tpu.memory_space<vmem_shared>>
    %dma_start3A_24 = tpu.memref_slice %arg11[%dma_start3A_14] : memref<4x!tpu.dma_semaphore, #tpu.memory_space<semaphore_mem>> -> memref<1x!tpu.dma_semaphore, #tpu.memory_space<semaphore_mem>>
    %dma_start3A_25 = tpu.memref_squeeze %dma_start3A_24 : memref<1x!tpu.dma_semaphore, #tpu.memory_space<semaphore_mem>> -> memref<!tpu.dma_semaphore, #tpu.memory_space<semaphore_mem>>
    tpu.enqueue_indirect_dma source(%dma_start3A_23 : memref<10112x16xf32, #tpu.memory_space<vmem_shared>>) target(%dma_start3A_18 : memref<128x16xf32, #tpu.memory_space<vmem>>) offsets(%dma_start3A_20 : memref<128xi32, #tpu.memory_space<vmem>>) semaphore(%dma_start3A_25 : memref<!tpu.dma_semaphore, #tpu.memory_space<semaphore_mem>>)
    %scan3A_26 = arith.constant 0 : i32
    %scan3A_27 = arith.constant 0 : i32
    %scan3A_28 = arith.constant 39 : i32
    %scan3A_29 = arith.addi %scan3A_27, %scan3A_28 : i32
    %scan3A_30 = arith.constant 1 : i32
    scf.for %scan3A_34 = %scan3A_27 to %scan3A_29 step %scan3A_30  : i32 {
      %add3A_35 = arith.constant 1 : i32
      %add3A_36 = arith.addi %scan3A_34, %add3A_35 : i32
      %lt3A = arith.constant 39 : i32
      %lt3A_37 = arith.cmpi slt, %add3A_36, %lt3A : i32
      %convert_element_type3A = arith.extui %lt3A_37 : i1 to i32
      %cond3A = arith.constant 0 : i32
      %cond3A_38 = arith.cmpi ne, %convert_element_type3A, %cond3A : i32
      scf.if %cond3A_38 {
        %add3A_51 = arith.constant 1 : i32
        %add3A_52 = arith.addi %scan3A_34, %add3A_51 : i32
        %mul3A_53 = arith.constant 128 : i32
        %mul3A_54 = arith.muli %add3A_52, %mul3A_53 : i32
        %multiple_of3A_55 = tpu.assume_multiple %mul3A_54, 8 : i32
        %add3A_56 = arith.constant 1 : i32
        %add3A_57 = arith.addi %scan3A_34, %add3A_56 : i32
        %rem3A_58 = arith.constant 4 : i32
        %rem3A_59 = arith.remsi %add3A_57, %rem3A_58 : i32
        %dma_start3A_60 = arith.constant 0 : i32
        %dma_start3A_61 = arith.constant 0 : i32
        %dma_start3A_62 = tpu.memref_slice %arg7[%rem3A_59, %dma_start3A_60, %dma_start3A_61] : memref<4x128x16xf32, #tpu.memory_space<vmem>> -> memref<1x128x16xf32, #tpu.memory_space<vmem>>
        %dma_start3A_63 = tpu.memref_squeeze %dma_start3A_62 : memref<1x128x16xf32, #tpu.memory_space<vmem>> -> memref<128x16xf32, #tpu.memory_space<vmem>>
        %dma_start3A_64 = tpu.memref_slice %arg5[%multiple_of3A_55] : memref<5000xi32, #tpu.memory_space<vmem>> -> memref<128xi32, #tpu.memory_space<vmem>>
        %dma_start3A_65 = arith.constant 0 : i32
        %dma_start3A_66 = arith.constant 0 : i32
        %dma_start3A_67 = tpu.memref_slice %arg10[%dma_start3A_65, %dma_start3A_66] : memref<10112x16xf32, #tpu.memory_space<vmem_shared>> -> memref<10112x16xf32, #tpu.memory_space<vmem_shared>>
        %dma_start3A_68 = tpu.memref_slice %arg11[%rem3A_59] : memref<4x!tpu.dma_semaphore, #tpu.memory_space<semaphore_mem>> -> memref<1x!tpu.dma_semaphore, #tpu.memory_space<semaphore_mem>>
        %dma_start3A_69 = tpu.memref_squeeze %dma_start3A_68 : memref<1x!tpu.dma_semaphore, #tpu.memory_space<semaphore_mem>> -> memref<!tpu.dma_semaphore, #tpu.memory_space<semaphore_mem>>
        tpu.enqueue_indirect_dma source(%dma_start3A_67 : memref<10112x16xf32, #tpu.memory_space<vmem_shared>>) target(%dma_start3A_63 : memref<128x16xf32, #tpu.memory_space<vmem>>) offsets(%dma_start3A_64 : memref<128xi32, #tpu.memory_space<vmem>>) semaphore(%dma_start3A_69 : memref<!tpu.dma_semaphore, #tpu.memory_space<semaphore_mem>>)
      } else {
      }
      %mul3A_39 = arith.constant 128 : i32
      %mul3A_40 = arith.muli %scan3A_34, %mul3A_39 : i32
      %multiple_of3A = tpu.assume_multiple %mul3A_40, 8 : i32
      %rem3A = arith.constant 4 : i32
      %rem3A_41 = arith.remsi %scan3A_34, %rem3A : i32
      %dma_wait3A = arith.constant 0 : i32
      %dma_wait3A_42 = arith.constant 0 : i32
      %dma_wait3A_43 = tpu.memref_slice %arg7[%rem3A_41, %dma_wait3A, %dma_wait3A_42] : memref<4x128x16xf32, #tpu.memory_space<vmem>> -> memref<1x128x16xf32, #tpu.memory_space<vmem>>
      %dma_wait3A_44 = tpu.memref_squeeze %dma_wait3A_43 : memref<1x128x16xf32, #tpu.memory_space<vmem>> -> memref<128x16xf32, #tpu.memory_space<vmem>>
      %dma_wait3A_45 = tpu.memref_slice %arg5[%multiple_of3A] : memref<5000xi32, #tpu.memory_space<vmem>> -> memref<128xi32, #tpu.memory_space<vmem>>
      %dma_wait3A_46 = arith.constant 0 : i32
      %dma_wait3A_47 = arith.constant 0 : i32
      %dma_wait3A_48 = tpu.memref_slice %arg10[%dma_wait3A_46, %dma_wait3A_47] : memref<10112x16xf32, #tpu.memory_space<vmem_shared>> -> memref<10112x16xf32, #tpu.memory_space<vmem_shared>>
      %dma_wait3A_49 = tpu.memref_slice %arg11[%rem3A_41] : memref<4x!tpu.dma_semaphore, #tpu.memory_space<semaphore_mem>> -> memref<1x!tpu.dma_semaphore, #tpu.memory_space<semaphore_mem>>
      %dma_wait3A_50 = tpu.memref_squeeze %dma_wait3A_49 : memref<1x!tpu.dma_semaphore, #tpu.memory_space<semaphore_mem>> -> memref<!tpu.dma_semaphore, #tpu.memory_space<semaphore_mem>>
      tpu.wait_indirect_dma semaphore(%dma_wait3A_50 : memref<!tpu.dma_semaphore, #tpu.memory_space<semaphore_mem>>) src(%dma_wait3A_48 : memref<10112x16xf32, #tpu.memory_space<vmem_shared>>) dst(%dma_wait3A_44 : memref<128x16xf32, #tpu.memory_space<vmem>>)
      "tpu.region"() ({
        %run_scoped3A_51 = tpu.sem_alloc : memref<!tpu.dma_semaphore, #tpu.memory_space<semaphore_mem>>
        %dma_start3A_52 = arith.constant 0 : i32
        %dma_start3A_53 = arith.constant 0 : i32
        %dma_start3A_54 = tpu.memref_slice %arg7[%rem3A_41, %dma_start3A_52, %dma_start3A_53] : memref<4x128x16xf32, #tpu.memory_space<vmem>> -> memref<1x128x16xf32, #tpu.memory_space<vmem>>
        %dma_start3A_55 = tpu.memref_squeeze %dma_start3A_54 : memref<1x128x16xf32, #tpu.memory_space<vmem>> -> memref<128x16xf32, #tpu.memory_space<vmem>>
        %dma_start3A_56 = tpu.memref_slice %arg6[%multiple_of3A] : memref<5000xi32, #tpu.memory_space<vmem>> -> memref<128xi32, #tpu.memory_space<vmem>>
        %dma_start3A_57 = arith.constant 0 : i32
        %dma_start3A_58 = arith.constant 0 : i32
        %dma_start3A_59 = tpu.memref_slice %arg9[%dma_start3A_57, %dma_start3A_58] : memref<10112x16xf32, #tpu.memory_space<vmem_shared>> -> memref<10112x16xf32, #tpu.memory_space<vmem_shared>>
        tpu.enqueue_indirect_dma source(%dma_start3A_55 : memref<128x16xf32, #tpu.memory_space<vmem>>) target(%dma_start3A_59 : memref<10112x16xf32, #tpu.memory_space<vmem_shared>>) offsets(%dma_start3A_56 : memref<128xi32, #tpu.memory_space<vmem>>) semaphore(%run_scoped3A_51 : memref<!tpu.dma_semaphore, #tpu.memory_space<semaphore_mem>>) {add = true}
        %dma_wait3A_60 = arith.constant 0 : i32
        %dma_wait3A_61 = arith.constant 0 : i32
        %dma_wait3A_62 = tpu.memref_slice %arg7[%rem3A_41, %dma_wait3A_60, %dma_wait3A_61] : memref<4x128x16xf32, #tpu.memory_space<vmem>> -> memref<1x128x16xf32, #tpu.memory_space<vmem>>
        %dma_wait3A_63 = tpu.memref_squeeze %dma_wait3A_62 : memref<1x128x16xf32, #tpu.memory_space<vmem>> -> memref<128x16xf32, #tpu.memory_space<vmem>>
        %dma_wait3A_64 = tpu.memref_slice %arg6[%multiple_of3A] : memref<5000xi32, #tpu.memory_space<vmem>> -> memref<128xi32, #tpu.memory_space<vmem>>
        %dma_wait3A_65 = arith.constant 0 : i32
        %dma_wait3A_66 = arith.constant 0 : i32
        %dma_wait3A_67 = tpu.memref_slice %arg9[%dma_wait3A_65, %dma_wait3A_66] : memref<10112x16xf32, #tpu.memory_space<vmem_shared>> -> memref<10112x16xf32, #tpu.memory_space<vmem_shared>>
        tpu.wait_indirect_dma semaphore(%run_scoped3A_51 : memref<!tpu.dma_semaphore, #tpu.memory_space<semaphore_mem>>) src(%dma_wait3A_63 : memref<128x16xf32, #tpu.memory_space<vmem>>) dst(%dma_wait3A_67 : memref<10112x16xf32, #tpu.memory_space<vmem_shared>>)
        tpu.yield
      }) : () -> ()
    }
    %scan3A_31 = arith.constant 39 : i32
    %run_scoped3A = arith.constant 3 : i32
    "tpu.region"() ({
      %run_scoped3A_34 = tpu.sem_alloc : memref<!tpu.dma_semaphore, #tpu.memory_space<semaphore_mem>>
      %dma_start3A_35 = arith.constant 0 : i32
      %dma_start3A_36 = arith.constant 0 : i32
      %dma_start3A_37 = tpu.memref_slice %arg7[%run_scoped3A, %dma_start3A_35, %dma_start3A_36] : memref<4x128x16xf32, #tpu.memory_space<vmem>> -> memref<1x8x16xf32, #tpu.memory_space<vmem>>
      %dma_start3A_38 = tpu.memref_squeeze %dma_start3A_37 : memref<1x8x16xf32, #tpu.memory_space<vmem>> -> memref<8x16xf32, #tpu.memory_space<vmem>>
      %dma_start3A_39 = arith.constant 4992 : i32
      %dma_start3A_40 = tpu.memref_slice %arg5[%dma_start3A_39] : memref<5000xi32, #tpu.memory_space<vmem>> -> memref<8xi32, #tpu.memory_space<vmem>>
      %dma_start3A_41 = arith.constant 0 : i32
      %dma_start3A_42 = arith.constant 0 : i32
      %dma_start3A_43 = tpu.memref_slice %arg10[%dma_start3A_41, %dma_start3A_42] : memref<10112x16xf32, #tpu.memory_space<vmem_shared>> -> memref<10112x16xf32, #tpu.memory_space<vmem_shared>>
      tpu.enqueue_indirect_dma source(%dma_start3A_43 : memref<10112x16xf32, #tpu.memory_space<vmem_shared>>) target(%dma_start3A_38 : memref<8x16xf32, #tpu.memory_space<vmem>>) offsets(%dma_start3A_40 : memref<8xi32, #tpu.memory_space<vmem>>) semaphore(%run_scoped3A_34 : memref<!tpu.dma_semaphore, #tpu.memory_space<semaphore_mem>>)
      %dma_wait3A = arith.constant 0 : i32
      %dma_wait3A_44 = arith.constant 0 : i32
      %dma_wait3A_45 = tpu.memref_slice %arg7[%run_scoped3A, %dma_wait3A, %dma_wait3A_44] : memref<4x128x16xf32, #tpu.memory_space<vmem>> -> memref<1x8x16xf32, #tpu.memory_space<vmem>>
      %dma_wait3A_46 = tpu.memref_squeeze %dma_wait3A_45 : memref<1x8x16xf32, #tpu.memory_space<vmem>> -> memref<8x16xf32, #tpu.memory_space<vmem>>
      %dma_wait3A_47 = arith.constant 4992 : i32
      %dma_wait3A_48 = tpu.memref_slice %arg5[%dma_wait3A_47] : memref<5000xi32, #tpu.memory_space<vmem>> -> memref<8xi32, #tpu.memory_space<vmem>>
      %dma_wait3A_49 = arith.constant 0 : i32
      %dma_wait3A_50 = arith.constant 0 : i32
      %dma_wait3A_51 = tpu.memref_slice %arg10[%dma_wait3A_49, %dma_wait3A_50] : memref<10112x16xf32, #tpu.memory_space<vmem_shared>> -> memref<10112x16xf32, #tpu.memory_space<vmem_shared>>
      tpu.wait_indirect_dma semaphore(%run_scoped3A_34 : memref<!tpu.dma_semaphore, #tpu.memory_space<semaphore_mem>>) src(%dma_wait3A_51 : memref<10112x16xf32, #tpu.memory_space<vmem_shared>>) dst(%dma_wait3A_46 : memref<8x16xf32, #tpu.memory_space<vmem>>)
      tpu.yield
    }) : () -> ()
    %run_scoped3A_32 = arith.constant 3 : i32
    "tpu.region"() ({
      %run_scoped3A_34 = tpu.sem_alloc : memref<!tpu.dma_semaphore, #tpu.memory_space<semaphore_mem>>
      %dma_start3A_35 = arith.constant 0 : i32
      %dma_start3A_36 = arith.constant 0 : i32
      %dma_start3A_37 = tpu.memref_slice %arg7[%run_scoped3A_32, %dma_start3A_35, %dma_start3A_36] : memref<4x128x16xf32, #tpu.memory_space<vmem>> -> memref<1x8x16xf32, #tpu.memory_space<vmem>>
      %dma_start3A_38 = tpu.memref_squeeze %dma_start3A_37 : memref<1x8x16xf32, #tpu.memory_space<vmem>> -> memref<8x16xf32, #tpu.memory_space<vmem>>
      %dma_start3A_39 = arith.constant 4992 : i32
      %dma_start3A_40 = tpu.memref_slice %arg6[%dma_start3A_39] : memref<5000xi32, #tpu.memory_space<vmem>> -> memref<8xi32, #tpu.memory_space<vmem>>
      %dma_start3A_41 = arith.constant 0 : i32
      %dma_start3A_42 = arith.constant 0 : i32
      %dma_start3A_43 = tpu.memref_slice %arg9[%dma_start3A_41, %dma_start3A_42] : memref<10112x16xf32, #tpu.memory_space<vmem_shared>> -> memref<10112x16xf32, #tpu.memory_space<vmem_shared>>
      tpu.enqueue_indirect_dma source(%dma_start3A_38 : memref<8x16xf32, #tpu.memory_space<vmem>>) target(%dma_start3A_43 : memref<10112x16xf32, #tpu.memory_space<vmem_shared>>) offsets(%dma_start3A_40 : memref<8xi32, #tpu.memory_space<vmem>>) semaphore(%run_scoped3A_34 : memref<!tpu.dma_semaphore, #tpu.memory_space<semaphore_mem>>) {add = true}
      %dma_wait3A = arith.constant 0 : i32
      %dma_wait3A_44 = arith.constant 0 : i32
      %dma_wait3A_45 = tpu.memref_slice %arg7[%run_scoped3A_32, %dma_wait3A, %dma_wait3A_44] : memref<4x128x16xf32, #tpu.memory_space<vmem>> -> memref<1x8x16xf32, #tpu.memory_space<vmem>>
      %dma_wait3A_46 = tpu.memref_squeeze %dma_wait3A_45 : memref<1x8x16xf32, #tpu.memory_space<vmem>> -> memref<8x16xf32, #tpu.memory_space<vmem>>
      %dma_wait3A_47 = arith.constant 4992 : i32
      %dma_wait3A_48 = tpu.memref_slice %arg6[%dma_wait3A_47] : memref<5000xi32, #tpu.memory_space<vmem>> -> memref<8xi32, #tpu.memory_space<vmem>>
      %dma_wait3A_49 = arith.constant 0 : i32
      %dma_wait3A_50 = arith.constant 0 : i32
      %dma_wait3A_51 = tpu.memref_slice %arg9[%dma_wait3A_49, %dma_wait3A_50] : memref<10112x16xf32, #tpu.memory_space<vmem_shared>> -> memref<10112x16xf32, #tpu.memory_space<vmem_shared>>
      tpu.wait_indirect_dma semaphore(%run_scoped3A_34 : memref<!tpu.dma_semaphore, #tpu.memory_space<semaphore_mem>>) src(%dma_wait3A_46 : memref<8x16xf32, #tpu.memory_space<vmem>>) dst(%dma_wait3A_51 : memref<10112x16xf32, #tpu.memory_space<vmem_shared>>)
      tpu.yield
    }) : () -> ()
    %barrier3A_33 = arith.constant 0 : index
    tpu.barrier barrier_id(%barrier3A_33)
    "tpu.region"() ({
      %run_scoped3A_34 = tpu.sem_alloc : memref<!tpu.dma_semaphore, #tpu.memory_space<semaphore_mem>>
      %dma_start3A_35 = arith.constant 0 : i32
      %dma_start3A_36 = tpu.memref_slice %arg4[%arg0, %mul3A_2, %dma_start3A_35] : memref<2x10112x16xf32, #tpu.memory_space<hbm>> -> memref<1x632x16xf32, #tpu.memory_space<hbm>>
      %dma_start3A_37 = tpu.memref_squeeze %dma_start3A_36 : memref<1x632x16xf32, #tpu.memory_space<hbm>> -> memref<632x16xf32, #tpu.memory_space<hbm>>
      %dma_start3A_38 = arith.constant 0 : i32
      %dma_start3A_39 = tpu.memref_slice %arg9[%mul3A_2, %dma_start3A_38] : memref<10112x16xf32, #tpu.memory_space<vmem_shared>> -> memref<632x16xf32, #tpu.memory_space<vmem_shared>>
      tpu.enqueue_dma source(%dma_start3A_39 : memref<632x16xf32, #tpu.memory_space<vmem_shared>>) target(%dma_start3A_37 : memref<632x16xf32, #tpu.memory_space<hbm>>) target_semaphore(%run_scoped3A_34 : memref<!tpu.dma_semaphore, #tpu.memory_space<semaphore_mem>>)
      %dma_wait3A = arith.constant 0 : i32
      %dma_wait3A_40 = tpu.memref_slice %arg4[%arg0, %mul3A_2, %dma_wait3A] : memref<2x10112x16xf32, #tpu.memory_space<hbm>> -> memref<1x632x16xf32, #tpu.memory_space<hbm>>
      %dma_wait3A_41 = tpu.memref_squeeze %dma_wait3A_40 : memref<1x632x16xf32, #tpu.memory_space<hbm>> -> memref<632x16xf32, #tpu.memory_space<hbm>>
      %dma_wait3A_42 = arith.constant 0 : i32
      %dma_wait3A_43 = tpu.memref_slice %arg9[%mul3A_2, %dma_wait3A_42] : memref<10112x16xf32, #tpu.memory_space<vmem_shared>> -> memref<632x16xf32, #tpu.memory_space<vmem_shared>>
      tpu.wait_dma2 semaphore(%run_scoped3A_34 : memref<!tpu.dma_semaphore, #tpu.memory_space<semaphore_mem>>) src(%dma_wait3A_43 : memref<632x16xf32, #tpu.memory_space<vmem_shared>>) dst(%dma_wait3A_41 : memref<632x16xf32, #tpu.memory_space<hbm>>)
      tpu.yield
    }) : () -> ()
    return
  }
}

#map = affine_map<(d0, d1) -> (0)>
#map1 = affine_map<(d0, d1) -> (0, 0, 0)>
module attributes {stable_mosaic.version = 14 : i64} {
  func.func @deg_kernel(%arg0: i32, %arg1: i32, %arg2: memref<320000xi32, #tpu.memory_space<hbm>>, %arg3: memref<2x2x161792xf32, #tpu.memory_space<hbm>>, %arg4: memref<5000xi32, #tpu.memory_space<vmem>>, %arg5: memref<5000xi32, #tpu.memory_space<vmem>>, %arg6: memref<128xf32, #tpu.memory_space<vmem>>, %arg7: memref<632xf32, #tpu.memory_space<vmem>>, %arg8: memref<10112xf32, #tpu.memory_space<vmem>>, %arg9: memref<640xf32, #tpu.memory_space<vmem>>, %arg10: memref<10112xf32, #tpu.memory_space<vmem_shared>>, %arg11: memref<10112xf32, #tpu.memory_space<vmem_shared>>, %arg12: memref<!tpu.dma_semaphore, #tpu.memory_space<semaphore_mem>>) attributes {dimension_semantics = [#tpu.dimension_semantics<core_parallel>, #tpu.dimension_semantics<subcore_parallel>], iteration_bounds = array<i64: 2, 16>, scalar_prefetch = 0 : i64, scratch_operands = 9 : i64, tpu.core_type = #tpu.core_type<sc_vector_subcore>, window_params = [{transform_indices = #map}, {transform_indices = #map1}]} {
    %mul3A = arith.constant 2 : i32
    %mul3A_0 = arith.muli %arg1, %mul3A : i32
    %add3A = arith.addi %mul3A_0, %arg0 : i32
    %mul3A_1 = arith.constant 632 : i32
    %mul3A_2 = arith.muli %arg1, %mul3A_1 : i32
    %scan3A = arith.constant 0 : i32
    %scan3A_3 = arith.constant 0 : i32
    %scan3A_4 = arith.constant 40 : i32
    %scan3A_5 = arith.addi %scan3A_3, %scan3A_4 : i32
    %scan3A_6 = arith.constant 1 : i32
    scf.for %scan3A_72 = %scan3A_3 to %scan3A_5 step %scan3A_6  : i32 {
      %broadcast_in_dim3A = arith.constant 0.000000e+00 : f32
      %broadcast_in_dim3A_73 = vector.broadcast %broadcast_in_dim3A : f32 to vector<16xf32>
      %mul3A_74 = arith.constant 16 : i32
      %mul3A_75 = arith.muli %scan3A_72, %mul3A_74 : i32
      %swap3A = arith.index_cast %mul3A_75 : i32 to index
      %swap3A_76 = tpu.vector_load %arg9[%swap3A] {strides = array<i32>} : memref<640xf32, #tpu.memory_space<vmem>>, vector<16xf32>,
      tpu.vector_store %arg9[%swap3A], %broadcast_in_dim3A_73 {strides = array<i32>} : memref<640xf32, #tpu.memory_space<vmem>>, vector<16xf32>,
    }
    %scan3A_7 = arith.constant 40 : i32
    %scan3A_8 = arith.constant 0 : i32
    %scan3A_9 = arith.constant 0 : i32
    %scan3A_10 = arith.constant 8 : i32
    %scan3A_11 = arith.addi %scan3A_9, %scan3A_10 : i32
    %scan3A_12 = arith.constant 1 : i32
    scf.for %scan3A_72 = %scan3A_9 to %scan3A_11 step %scan3A_12  : i32 {
      %broadcast_in_dim3A = arith.constant 1.000000e+00 : f32
      %broadcast_in_dim3A_73 = vector.broadcast %broadcast_in_dim3A : f32 to vector<16xf32>
      %mul3A_74 = arith.constant 16 : i32
      %mul3A_75 = arith.muli %scan3A_72, %mul3A_74 : i32
      %swap3A = arith.index_cast %mul3A_75 : i32 to index
      %swap3A_76 = tpu.vector_load %arg6[%swap3A] {strides = array<i32>} : memref<128xf32, #tpu.memory_space<vmem>>, vector<16xf32>,
      tpu.vector_store %arg6[%swap3A], %broadcast_in_dim3A_73 {strides = array<i32>} : memref<128xf32, #tpu.memory_space<vmem>>, vector<16xf32>,
    }
    %scan3A_13 = arith.constant 8 : i32
    "tpu.region"() ({
      %run_scoped3A_72 = tpu.sem_alloc : memref<!tpu.dma_semaphore, #tpu.memory_space<semaphore_mem>>
      %dma_start3A_73 = arith.constant 0 : i32
      %dma_start3A_74 = tpu.memref_slice %arg9[%dma_start3A_73] : memref<640xf32, #tpu.memory_space<vmem>> -> memref<632xf32, #tpu.memory_space<vmem>>
      %dma_start3A_75 = tpu.memref_slice %arg10[%mul3A_2] : memref<10112xf32, #tpu.memory_space<vmem_shared>> -> memref<632xf32, #tpu.memory_space<vmem_shared>>
      %dma_start3A_76 = tpu.memref_slice %arg10[%mul3A_2] : memref<10112xf32, #tpu.memory_space<vmem_shared>> -> memref<632xf32, #tpu.memory_space<vmem_shared>>
      %dma_start3A_77 = arith.constant 0 : i32
      %dma_start3A_78 = tpu.memref_slice %arg9[%dma_start3A_77] : memref<640xf32, #tpu.memory_space<vmem>> -> memref<632xf32, #tpu.memory_space<vmem>>
      tpu.enqueue_dma source(%dma_start3A_78 : memref<632xf32, #tpu.memory_space<vmem>>) target(%dma_start3A_76 : memref<632xf32, #tpu.memory_space<vmem_shared>>) target_semaphore(%run_scoped3A_72 : memref<!tpu.dma_semaphore, #tpu.memory_space<semaphore_mem>>)
      %dma_wait3A_79 = arith.constant 0 : i32
      %dma_wait3A_80 = tpu.memref_slice %arg9[%dma_wait3A_79] : memref<640xf32, #tpu.memory_space<vmem>> -> memref<632xf32, #tpu.memory_space<vmem>>
      %dma_wait3A_81 = tpu.memref_slice %arg10[%mul3A_2] : memref<10112xf32, #tpu.memory_space<vmem_shared>> -> memref<632xf32, #tpu.memory_space<vmem_shared>>
      %dma_wait3A_82 = tpu.memref_slice %arg10[%mul3A_2] : memref<10112xf32, #tpu.memory_space<vmem_shared>> -> memref<632xf32, #tpu.memory_space<vmem_shared>>
      %dma_wait3A_83 = arith.constant 0 : i32
      %dma_wait3A_84 = tpu.memref_slice %arg9[%dma_wait3A_83] : memref<640xf32, #tpu.memory_space<vmem>> -> memref<632xf32, #tpu.memory_space<vmem>>
      tpu.wait_dma2 semaphore(%run_scoped3A_72 : memref<!tpu.dma_semaphore, #tpu.memory_space<semaphore_mem>>) src(%dma_wait3A_84 : memref<632xf32, #tpu.memory_space<vmem>>) dst(%dma_wait3A_82 : memref<632xf32, #tpu.memory_space<vmem_shared>>)
      tpu.yield
    }) : () -> ()
    "tpu.region"() ({
      %run_scoped3A_72 = tpu.sem_alloc : memref<!tpu.dma_semaphore, #tpu.memory_space<semaphore_mem>>
      %dma_start3A_73 = arith.constant 0 : i32
      %dma_start3A_74 = tpu.memref_slice %arg9[%dma_start3A_73] : memref<640xf32, #tpu.memory_space<vmem>> -> memref<632xf32, #tpu.memory_space<vmem>>
      %dma_start3A_75 = tpu.memref_slice %arg11[%mul3A_2] : memref<10112xf32, #tpu.memory_space<vmem_shared>> -> memref<632xf32, #tpu.memory_space<vmem_shared>>
      %dma_start3A_76 = tpu.memref_slice %arg11[%mul3A_2] : memref<10112xf32, #tpu.memory_space<vmem_shared>> -> memref<632xf32, #tpu.memory_space<vmem_shared>>
      %dma_start3A_77 = arith.constant 0 : i32
      %dma_start3A_78 = tpu.memref_slice %arg9[%dma_start3A_77] : memref<640xf32, #tpu.memory_space<vmem>> -> memref<632xf32, #tpu.memory_space<vmem>>
      tpu.enqueue_dma source(%dma_start3A_78 : memref<632xf32, #tpu.memory_space<vmem>>) target(%dma_start3A_76 : memref<632xf32, #tpu.memory_space<vmem_shared>>) target_semaphore(%run_scoped3A_72 : memref<!tpu.dma_semaphore, #tpu.memory_space<semaphore_mem>>)
      %dma_wait3A_79 = arith.constant 0 : i32
      %dma_wait3A_80 = tpu.memref_slice %arg9[%dma_wait3A_79] : memref<640xf32, #tpu.memory_space<vmem>> -> memref<632xf32, #tpu.memory_space<vmem>>
      %dma_wait3A_81 = tpu.memref_slice %arg11[%mul3A_2] : memref<10112xf32, #tpu.memory_space<vmem_shared>> -> memref<632xf32, #tpu.memory_space<vmem_shared>>
      %dma_wait3A_82 = tpu.memref_slice %arg11[%mul3A_2] : memref<10112xf32, #tpu.memory_space<vmem_shared>> -> memref<632xf32, #tpu.memory_space<vmem_shared>>
      %dma_wait3A_83 = arith.constant 0 : i32
      %dma_wait3A_84 = tpu.memref_slice %arg9[%dma_wait3A_83] : memref<640xf32, #tpu.memory_space<vmem>> -> memref<632xf32, #tpu.memory_space<vmem>>
      tpu.wait_dma2 semaphore(%run_scoped3A_72 : memref<!tpu.dma_semaphore, #tpu.memory_space<semaphore_mem>>) src(%dma_wait3A_84 : memref<632xf32, #tpu.memory_space<vmem>>) dst(%dma_wait3A_82 : memref<632xf32, #tpu.memory_space<vmem_shared>>)
      tpu.yield
    }) : () -> ()
    %mul3A_14 = arith.constant 5000 : i32
    %mul3A_15 = arith.muli %add3A, %mul3A_14 : i32
    "tpu.region"() ({
      %run_scoped3A_72 = tpu.sem_alloc : memref<!tpu.dma_semaphore, #tpu.memory_space<semaphore_mem>>
      %dma_start3A_73 = tpu.memref_slice %arg2[%mul3A_15] : memref<320000xi32, #tpu.memory_space<hbm>> -> memref<5000xi32, #tpu.memory_space<hbm>>
      %dma_start3A_74 = tpu.memref_slice %arg2[%mul3A_15] : memref<320000xi32, #tpu.memory_space<hbm>> -> memref<5000xi32, #tpu.memory_space<hbm>>
      tpu.enqueue_dma source(%dma_start3A_74 : memref<5000xi32, #tpu.memory_space<hbm>>) target(%arg4 : memref<5000xi32, #tpu.memory_space<vmem>>) target_semaphore(%run_scoped3A_72 : memref<!tpu.dma_semaphore, #tpu.memory_space<semaphore_mem>>)
      %dma_wait3A_75 = tpu.memref_slice %arg2[%mul3A_15] : memref<320000xi32, #tpu.memory_space<hbm>> -> memref<5000xi32, #tpu.memory_space<hbm>>
      %dma_wait3A_76 = tpu.memref_slice %arg2[%mul3A_15] : memref<320000xi32, #tpu.memory_space<hbm>> -> memref<5000xi32, #tpu.memory_space<hbm>>
      tpu.wait_dma2 semaphore(%run_scoped3A_72 : memref<!tpu.dma_semaphore, #tpu.memory_space<semaphore_mem>>) src(%dma_wait3A_76 : memref<5000xi32, #tpu.memory_space<hbm>>) dst(%arg4 : memref<5000xi32, #tpu.memory_space<vmem>>)
      tpu.yield
    }) : () -> ()
    %mul3A_16 = arith.constant 5000 : i32
    %mul3A_17 = arith.muli %add3A, %mul3A_16 : i32
    %add3A_18 = arith.constant 160000 : i32
    %add3A_19 = arith.addi %add3A_18, %mul3A_17 : i32
    "tpu.region"() ({
      %run_scoped3A_72 = tpu.sem_alloc : memref<!tpu.dma_semaphore, #tpu.memory_space<semaphore_mem>>
      %dma_start3A_73 = tpu.memref_slice %arg2[%add3A_19] : memref<320000xi32, #tpu.memory_space<hbm>> -> memref<5000xi32, #tpu.memory_space<hbm>>
      %dma_start3A_74 = tpu.memref_slice %arg2[%add3A_19] : memref<320000xi32, #tpu.memory_space<hbm>> -> memref<5000xi32, #tpu.memory_space<hbm>>
      tpu.enqueue_dma source(%dma_start3A_74 : memref<5000xi32, #tpu.memory_space<hbm>>) target(%arg5 : memref<5000xi32, #tpu.memory_space<vmem>>) target_semaphore(%run_scoped3A_72 : memref<!tpu.dma_semaphore, #tpu.memory_space<semaphore_mem>>)
      %dma_wait3A_75 = tpu.memref_slice %arg2[%add3A_19] : memref<320000xi32, #tpu.memory_space<hbm>> -> memref<5000xi32, #tpu.memory_space<hbm>>
      %dma_wait3A_76 = tpu.memref_slice %arg2[%add3A_19] : memref<320000xi32, #tpu.memory_space<hbm>> -> memref<5000xi32, #tpu.memory_space<hbm>>
      tpu.wait_dma2 semaphore(%run_scoped3A_72 : memref<!tpu.dma_semaphore, #tpu.memory_space<semaphore_mem>>) src(%dma_wait3A_76 : memref<5000xi32, #tpu.memory_space<hbm>>) dst(%arg5 : memref<5000xi32, #tpu.memory_space<vmem>>)
      tpu.yield
    }) : () -> ()
    %barrier3A = arith.constant 0 : index
    tpu.barrier barrier_id(%barrier3A)
    %scan3A_20 = arith.constant 0 : i32
    %scan3A_21 = arith.constant 0 : i32
    %scan3A_22 = arith.constant 39 : i32
    %scan3A_23 = arith.addi %scan3A_21, %scan3A_22 : i32
    %scan3A_24 = arith.constant 1 : i32
    scf.for %scan3A_72 = %scan3A_21 to %scan3A_23 step %scan3A_24  : i32 {
      %mul3A_73 = arith.constant 128 : i32
      %mul3A_74 = arith.muli %scan3A_72, %mul3A_73 : i32
      %multiple_of3A = tpu.assume_multiple %mul3A_74, 8 : i32
      %dma_start3A_75 = tpu.memref_slice %arg4[%multiple_of3A] : memref<5000xi32, #tpu.memory_space<vmem>> -> memref<128xi32, #tpu.memory_space<vmem>>
      %dma_start3A_76 = arith.constant 0 : i32
      %dma_start3A_77 = tpu.memref_slice %arg10[%dma_start3A_76] : memref<10112xf32, #tpu.memory_space<vmem_shared>> -> memref<10112xf32, #tpu.memory_space<vmem_shared>>
      tpu.enqueue_indirect_dma source(%arg6 : memref<128xf32, #tpu.memory_space<vmem>>) target(%dma_start3A_77 : memref<10112xf32, #tpu.memory_space<vmem_shared>>) offsets(%dma_start3A_75 : memref<128xi32, #tpu.memory_space<vmem>>) semaphore(%arg12 : memref<!tpu.dma_semaphore, #tpu.memory_space<semaphore_mem>>) {add = true}
      %dma_start3A_78 = tpu.memref_slice %arg5[%multiple_of3A] : memref<5000xi32, #tpu.memory_space<vmem>> -> memref<128xi32, #tpu.memory_space<vmem>>
      %dma_start3A_79 = arith.constant 0 : i32
      %dma_start3A_80 = tpu.memref_slice %arg11[%dma_start3A_79] : memref<10112xf32, #tpu.memory_space<vmem_shared>> -> memref<10112xf32, #tpu.memory_space<vmem_shared>>
      tpu.enqueue_indirect_dma source(%arg6 : memref<128xf32, #tpu.memory_space<vmem>>) target(%dma_start3A_80 : memref<10112xf32, #tpu.memory_space<vmem_shared>>) offsets(%dma_start3A_78 : memref<128xi32, #tpu.memory_space<vmem>>) semaphore(%arg12 : memref<!tpu.dma_semaphore, #tpu.memory_space<semaphore_mem>>) {add = true}
    }
    %scan3A_25 = arith.constant 39 : i32
    %dma_start3A = arith.constant 0 : i32
    %dma_start3A_26 = tpu.memref_slice %arg6[%dma_start3A] : memref<128xf32, #tpu.memory_space<vmem>> -> memref<8xf32, #tpu.memory_space<vmem>>
    %dma_start3A_27 = arith.constant 4992 : i32
    %dma_start3A_28 = tpu.memref_slice %arg4[%dma_start3A_27] : memref<5000xi32, #tpu.memory_space<vmem>> -> memref<8xi32, #tpu.memory_space<vmem>>
    %dma_start3A_29 = arith.constant 0 : i32
    %dma_start3A_30 = tpu.memref_slice %arg10[%dma_start3A_29] : memref<10112xf32, #tpu.memory_space<vmem_shared>> -> memref<10112xf32, #tpu.memory_space<vmem_shared>>
    tpu.enqueue_indirect_dma source(%dma_start3A_26 : memref<8xf32, #tpu.memory_space<vmem>>) target(%dma_start3A_30 : memref<10112xf32, #tpu.memory_space<vmem_shared>>) offsets(%dma_start3A_28 : memref<8xi32, #tpu.memory_space<vmem>>) semaphore(%arg12 : memref<!tpu.dma_semaphore, #tpu.memory_space<semaphore_mem>>) {add = true}
    %dma_start3A_31 = arith.constant 0 : i32
    %dma_start3A_32 = tpu.memref_slice %arg6[%dma_start3A_31] : memref<128xf32, #tpu.memory_space<vmem>> -> memref<8xf32, #tpu.memory_space<vmem>>
    %dma_start3A_33 = arith.constant 4992 : i32
    %dma_start3A_34 = tpu.memref_slice %arg5[%dma_start3A_33] : memref<5000xi32, #tpu.memory_space<vmem>> -> memref<8xi32, #tpu.memory_space<vmem>>
    %dma_start3A_35 = arith.constant 0 : i32
    %dma_start3A_36 = tpu.memref_slice %arg11[%dma_start3A_35] : memref<10112xf32, #tpu.memory_space<vmem_shared>> -> memref<10112xf32, #tpu.memory_space<vmem_shared>>
    tpu.enqueue_indirect_dma source(%dma_start3A_32 : memref<8xf32, #tpu.memory_space<vmem>>) target(%dma_start3A_36 : memref<10112xf32, #tpu.memory_space<vmem_shared>>) offsets(%dma_start3A_34 : memref<8xi32, #tpu.memory_space<vmem>>) semaphore(%arg12 : memref<!tpu.dma_semaphore, #tpu.memory_space<semaphore_mem>>) {add = true}
    %scan3A_37 = arith.constant 0 : i32
    %scan3A_38 = arith.constant 0 : i32
    %scan3A_39 = arith.constant 39 : i32
    %scan3A_40 = arith.addi %scan3A_38, %scan3A_39 : i32
    %scan3A_41 = arith.constant 1 : i32
    scf.for %scan3A_72 = %scan3A_38 to %scan3A_40 step %scan3A_41  : i32 {
      %mul3A_73 = arith.constant 128 : i32
      %mul3A_74 = arith.muli %scan3A_72, %mul3A_73 : i32
      %multiple_of3A = tpu.assume_multiple %mul3A_74, 8 : i32
      %dma_wait3A_75 = tpu.memref_slice %arg4[%multiple_of3A] : memref<5000xi32, #tpu.memory_space<vmem>> -> memref<128xi32, #tpu.memory_space<vmem>>
      %dma_wait3A_76 = arith.constant 0 : i32
      %dma_wait3A_77 = tpu.memref_slice %arg10[%dma_wait3A_76] : memref<10112xf32, #tpu.memory_space<vmem_shared>> -> memref<10112xf32, #tpu.memory_space<vmem_shared>>
      tpu.wait_indirect_dma semaphore(%arg12 : memref<!tpu.dma_semaphore, #tpu.memory_space<semaphore_mem>>) src(%arg6 : memref<128xf32, #tpu.memory_space<vmem>>) dst(%dma_wait3A_77 : memref<10112xf32, #tpu.memory_space<vmem_shared>>)
      %dma_wait3A_78 = tpu.memref_slice %arg5[%multiple_of3A] : memref<5000xi32, #tpu.memory_space<vmem>> -> memref<128xi32, #tpu.memory_space<vmem>>
      %dma_wait3A_79 = arith.constant 0 : i32
      %dma_wait3A_80 = tpu.memref_slice %arg11[%dma_wait3A_79] : memref<10112xf32, #tpu.memory_space<vmem_shared>> -> memref<10112xf32, #tpu.memory_space<vmem_shared>>
      tpu.wait_indirect_dma semaphore(%arg12 : memref<!tpu.dma_semaphore, #tpu.memory_space<semaphore_mem>>) src(%arg6 : memref<128xf32, #tpu.memory_space<vmem>>) dst(%dma_wait3A_80 : memref<10112xf32, #tpu.memory_space<vmem_shared>>)
    }
    %scan3A_42 = arith.constant 39 : i32
    %dma_wait3A = arith.constant 0 : i32
    %dma_wait3A_43 = tpu.memref_slice %arg6[%dma_wait3A] : memref<128xf32, #tpu.memory_space<vmem>> -> memref<8xf32, #tpu.memory_space<vmem>>
    %dma_wait3A_44 = arith.constant 4992 : i32
    %dma_wait3A_45 = tpu.memref_slice %arg4[%dma_wait3A_44] : memref<5000xi32, #tpu.memory_space<vmem>> -> memref<8xi32, #tpu.memory_space<vmem>>
    %dma_wait3A_46 = arith.constant 0 : i32
    %dma_wait3A_47 = tpu.memref_slice %arg10[%dma_wait3A_46] : memref<10112xf32, #tpu.memory_space<vmem_shared>> -> memref<10112xf32, #tpu.memory_space<vmem_shared>>
    tpu.wait_indirect_dma semaphore(%arg12 : memref<!tpu.dma_semaphore, #tpu.memory_space<semaphore_mem>>) src(%dma_wait3A_43 : memref<8xf32, #tpu.memory_space<vmem>>) dst(%dma_wait3A_47 : memref<10112xf32, #tpu.memory_space<vmem_shared>>)
    %dma_wait3A_48 = arith.constant 0 : i32
    %dma_wait3A_49 = tpu.memref_slice %arg6[%dma_wait3A_48] : memref<128xf32, #tpu.memory_space<vmem>> -> memref<8xf32, #tpu.memory_space<vmem>>
    %dma_wait3A_50 = arith.constant 4992 : i32
    %dma_wait3A_51 = tpu.memref_slice %arg5[%dma_wait3A_50] : memref<5000xi32, #tpu.memory_space<vmem>> -> memref<8xi32, #tpu.memory_space<vmem>>
    %dma_wait3A_52 = arith.constant 0 : i32
    %dma_wait3A_53 = tpu.memref_slice %arg11[%dma_wait3A_52] : memref<10112xf32, #tpu.memory_space<vmem_shared>> -> memref<10112xf32, #tpu.memory_space<vmem_shared>>
    tpu.wait_indirect_dma semaphore(%arg12 : memref<!tpu.dma_semaphore, #tpu.memory_space<semaphore_mem>>) src(%dma_wait3A_49 : memref<8xf32, #tpu.memory_space<vmem>>) dst(%dma_wait3A_53 : memref<10112xf32, #tpu.memory_space<vmem_shared>>)
    %barrier3A_54 = arith.constant 0 : index
    tpu.barrier barrier_id(%barrier3A_54)
    "tpu.region"() ({
      %run_scoped3A_72 = tpu.sem_alloc : memref<!tpu.dma_semaphore, #tpu.memory_space<semaphore_mem>>
      %dma_start3A_73 = tpu.memref_slice %arg10[%mul3A_2] : memref<10112xf32, #tpu.memory_space<vmem_shared>> -> memref<632xf32, #tpu.memory_space<vmem_shared>>
      %dma_start3A_74 = tpu.memref_slice %arg10[%mul3A_2] : memref<10112xf32, #tpu.memory_space<vmem_shared>> -> memref<632xf32, #tpu.memory_space<vmem_shared>>
      tpu.enqueue_dma source(%dma_start3A_74 : memref<632xf32, #tpu.memory_space<vmem_shared>>) target(%arg7 : memref<632xf32, #tpu.memory_space<vmem>>) target_semaphore(%run_scoped3A_72 : memref<!tpu.dma_semaphore, #tpu.memory_space<semaphore_mem>>)
      %dma_wait3A_75 = tpu.memref_slice %arg10[%mul3A_2] : memref<10112xf32, #tpu.memory_space<vmem_shared>> -> memref<632xf32, #tpu.memory_space<vmem_shared>>
      %dma_wait3A_76 = tpu.memref_slice %arg10[%mul3A_2] : memref<10112xf32, #tpu.memory_space<vmem_shared>> -> memref<632xf32, #tpu.memory_space<vmem_shared>>
      tpu.wait_dma2 semaphore(%run_scoped3A_72 : memref<!tpu.dma_semaphore, #tpu.memory_space<semaphore_mem>>) src(%dma_wait3A_76 : memref<632xf32, #tpu.memory_space<vmem_shared>>) dst(%arg7 : memref<632xf32, #tpu.memory_space<vmem>>)
      tpu.yield
    }) : () -> ()
    %scan3A_55 = arith.constant 0 : i32
    %scan3A_56 = arith.constant 0 : i32
    %scan3A_57 = arith.constant 632 : i32
    %scan3A_58 = arith.addi %scan3A_56, %scan3A_57 : i32
    %scan3A_59 = arith.constant 1 : i32
    scf.for %scan3A_72 = %scan3A_56 to %scan3A_58 step %scan3A_59  : i32 {
      %broadcast_in_dim3A = vector.broadcast %scan3A_72 : i32 to vector<16xi32>
      %mul3A_73 = arith.constant 16 : i32
      %mul3A_74 = arith.muli %scan3A_72, %mul3A_73 : i32
      %multiple_of3A = tpu.assume_multiple %mul3A_74, 16 : i32
      %gather3A = tpu.vector_load_idx %arg7[%broadcast_in_dim3A] : memref<632xf32, #tpu.memory_space<vmem>>[vector<16xi32>], vector<16xf32>,
      %swap3A = arith.index_cast %multiple_of3A : i32 to index
      %swap3A_75 = tpu.vector_load %arg8[%swap3A] {strides = array<i32>} : memref<10112xf32, #tpu.memory_space<vmem>>, vector<16xf32>,
      tpu.vector_store %arg8[%swap3A], %gather3A {strides = array<i32>} : memref<10112xf32, #tpu.memory_space<vmem>>, vector<16xf32>,
    }
    %scan3A_60 = arith.constant 632 : i32
    %mul3A_61 = arith.constant 16 : i32
    %mul3A_62 = arith.muli %mul3A_2, %mul3A_61 : i32
    %run_scoped3A = arith.constant 0 : i32
    "tpu.region"() ({
      %run_scoped3A_72 = tpu.sem_alloc : memref<!tpu.dma_semaphore, #tpu.memory_space<semaphore_mem>>
      %dma_start3A_73 = tpu.memref_slice %arg3[%arg0, %run_scoped3A, %mul3A_62] : memref<2x2x161792xf32, #tpu.memory_space<hbm>> -> memref<1x1x10112xf32, #tpu.memory_space<hbm>>
      %dma_start3A_74 = tpu.memref_squeeze %dma_start3A_73 : memref<1x1x10112xf32, #tpu.memory_space<hbm>> -> memref<10112xf32, #tpu.memory_space<hbm>>
      %dma_start3A_75 = tpu.memref_slice %arg3[%arg0, %run_scoped3A, %mul3A_62] : memref<2x2x161792xf32, #tpu.memory_space<hbm>> -> memref<1x1x10112xf32, #tpu.memory_space<hbm>>
      %dma_start3A_76 = tpu.memref_squeeze %dma_start3A_75 : memref<1x1x10112xf32, #tpu.memory_space<hbm>> -> memref<10112xf32, #tpu.memory_space<hbm>>
      tpu.enqueue_dma source(%arg8 : memref<10112xf32, #tpu.memory_space<vmem>>) target(%dma_start3A_76 : memref<10112xf32, #tpu.memory_space<hbm>>) target_semaphore(%run_scoped3A_72 : memref<!tpu.dma_semaphore, #tpu.memory_space<semaphore_mem>>)
      %dma_wait3A_77 = tpu.memref_slice %arg3[%arg0, %run_scoped3A, %mul3A_62] : memref<2x2x161792xf32, #tpu.memory_space<hbm>> -> memref<1x1x10112xf32, #tpu.memory_space<hbm>>
      %dma_wait3A_78 = tpu.memref_squeeze %dma_wait3A_77 : memref<1x1x10112xf32, #tpu.memory_space<hbm>> -> memref<10112xf32, #tpu.memory_space<hbm>>
      %dma_wait3A_79 = tpu.memref_slice %arg3[%arg0, %run_scoped3A, %mul3A_62] : memref<2x2x161792xf32, #tpu.memory_space<hbm>> -> memref<1x1x10112xf32, #tpu.memory_space<hbm>>
      %dma_wait3A_80 = tpu.memref_squeeze %dma_wait3A_79 : memref<1x1x10112xf32, #tpu.memory_space<hbm>> -> memref<10112xf32, #tpu.memory_space<hbm>>
      tpu.wait_dma2 semaphore(%run_scoped3A_72 : memref<!tpu.dma_semaphore, #tpu.memory_space<semaphore_mem>>) src(%arg8 : memref<10112xf32, #tpu.memory_space<vmem>>) dst(%dma_wait3A_80 : memref<10112xf32, #tpu.memory_space<hbm>>)
      tpu.yield
    }) : () -> ()
    "tpu.region"() ({
      %run_scoped3A_72 = tpu.sem_alloc : memref<!tpu.dma_semaphore, #tpu.memory_space<semaphore_mem>>
      %dma_start3A_73 = tpu.memref_slice %arg11[%mul3A_2] : memref<10112xf32, #tpu.memory_space<vmem_shared>> -> memref<632xf32, #tpu.memory_space<vmem_shared>>
      %dma_start3A_74 = tpu.memref_slice %arg11[%mul3A_2] : memref<10112xf32, #tpu.memory_space<vmem_shared>> -> memref<632xf32, #tpu.memory_space<vmem_shared>>
      tpu.enqueue_dma source(%dma_start3A_74 : memref<632xf32, #tpu.memory_space<vmem_shared>>) target(%arg7 : memref<632xf32, #tpu.memory_space<vmem>>) target_semaphore(%run_scoped3A_72 : memref<!tpu.dma_semaphore, #tpu.memory_space<semaphore_mem>>)
      %dma_wait3A_75 = tpu.memref_slice %arg11[%mul3A_2] : memref<10112xf32, #tpu.memory_space<vmem_shared>> -> memref<632xf32, #tpu.memory_space<vmem_shared>>
      %dma_wait3A_76 = tpu.memref_slice %arg11[%mul3A_2] : memref<10112xf32, #tpu.memory_space<vmem_shared>> -> memref<632xf32, #tpu.memory_space<vmem_shared>>
      tpu.wait_dma2 semaphore(%run_scoped3A_72 : memref<!tpu.dma_semaphore, #tpu.memory_space<semaphore_mem>>) src(%dma_wait3A_76 : memref<632xf32, #tpu.memory_space<vmem_shared>>) dst(%arg7 : memref<632xf32, #tpu.memory_space<vmem>>)
      tpu.yield
    }) : () -> ()
    %scan3A_63 = arith.constant 0 : i32
    %scan3A_64 = arith.constant 0 : i32
    %scan3A_65 = arith.constant 632 : i32
    %scan3A_66 = arith.addi %scan3A_64, %scan3A_65 : i32
    %scan3A_67 = arith.constant 1 : i32
    scf.for %scan3A_72 = %scan3A_64 to %scan3A_66 step %scan3A_67  : i32 {
      %broadcast_in_dim3A = vector.broadcast %scan3A_72 : i32 to vector<16xi32>
      %mul3A_73 = arith.constant 16 : i32
      %mul3A_74 = arith.muli %scan3A_72, %mul3A_73 : i32
      %multiple_of3A = tpu.assume_multiple %mul3A_74, 16 : i32
      %gather3A = tpu.vector_load_idx %arg7[%broadcast_in_dim3A] : memref<632xf32, #tpu.memory_space<vmem>>[vector<16xi32>], vector<16xf32>,
      %swap3A = arith.index_cast %multiple_of3A : i32 to index
      %swap3A_75 = tpu.vector_load %arg8[%swap3A] {strides = array<i32>} : memref<10112xf32, #tpu.memory_space<vmem>>, vector<16xf32>,
      tpu.vector_store %arg8[%swap3A], %gather3A {strides = array<i32>} : memref<10112xf32, #tpu.memory_space<vmem>>, vector<16xf32>,
    }
    %scan3A_68 = arith.constant 632 : i32
    %mul3A_69 = arith.constant 16 : i32
    %mul3A_70 = arith.muli %mul3A_2, %mul3A_69 : i32
    %run_scoped3A_71 = arith.constant 1 : i32
    "tpu.region"() ({
      %run_scoped3A_72 = tpu.sem_alloc : memref<!tpu.dma_semaphore, #tpu.memory_space<semaphore_mem>>
      %dma_start3A_73 = tpu.memref_slice %arg3[%arg0, %run_scoped3A_71, %mul3A_70] : memref<2x2x161792xf32, #tpu.memory_space<hbm>> -> memref<1x1x10112xf32, #tpu.memory_space<hbm>>
      %dma_start3A_74 = tpu.memref_squeeze %dma_start3A_73 : memref<1x1x10112xf32, #tpu.memory_space<hbm>> -> memref<10112xf32, #tpu.memory_space<hbm>>
      %dma_start3A_75 = tpu.memref_slice %arg3[%arg0, %run_scoped3A_71, %mul3A_70] : memref<2x2x161792xf32, #tpu.memory_space<hbm>> -> memref<1x1x10112xf32, #tpu.memory_space<hbm>>
      %dma_start3A_76 = tpu.memref_squeeze %dma_start3A_75 : memref<1x1x10112xf32, #tpu.memory_space<hbm>> -> memref<10112xf32, #tpu.memory_space<hbm>>
      tpu.enqueue_dma source(%arg8 : memref<10112xf32, #tpu.memory_space<vmem>>) target(%dma_start3A_76 : memref<10112xf32, #tpu.memory_space<hbm>>) target_semaphore(%run_scoped3A_72 : memref<!tpu.dma_semaphore, #tpu.memory_space<semaphore_mem>>)
      %dma_wait3A_77 = tpu.memref_slice %arg3[%arg0, %run_scoped3A_71, %mul3A_70] : memref<2x2x161792xf32, #tpu.memory_space<hbm>> -> memref<1x1x10112xf32, #tpu.memory_space<hbm>>
      %dma_wait3A_78 = tpu.memref_squeeze %dma_wait3A_77 : memref<1x1x10112xf32, #tpu.memory_space<hbm>> -> memref<10112xf32, #tpu.memory_space<hbm>>
      %dma_wait3A_79 = tpu.memref_slice %arg3[%arg0, %run_scoped3A_71, %mul3A_70] : memref<2x2x161792xf32, #tpu.memory_space<hbm>> -> memref<1x1x10112xf32, #tpu.memory_space<hbm>>
      %dma_wait3A_80 = tpu.memref_squeeze %dma_wait3A_79 : memref<1x1x10112xf32, #tpu.memory_space<hbm>> -> memref<10112xf32, #tpu.memory_space<hbm>>
      tpu.wait_dma2 semaphore(%run_scoped3A_72 : memref<!tpu.dma_semaphore, #tpu.memory_space<semaphore_mem>>) src(%arg8 : memref<10112xf32, #tpu.memory_space<vmem>>) dst(%dma_wait3A_80 : memref<10112xf32, #tpu.memory_space<hbm>>)
      tpu.yield
    }) : () -> ()
    return
  }
}

#map = affine_map<(d0, d1) -> (0, 0)>
#map1 = affine_map<(d0, d1) -> (0)>
#map2 = affine_map<(d0, d1) -> (0, 0, 0)>
module attributes {stable_mosaic.version = 14 : i64} {
  func.func @agg_kernel(%arg0: i32, %arg1: i32, %arg2: memref<10112x16xf32, #tpu.memory_space<hbm>>, %arg3: memref<320000xi32, #tpu.memory_space<hbm>>, %arg4: memref<2x10112x16xf32, #tpu.memory_space<hbm>>, %arg5: memref<5000xi32, #tpu.memory_space<vmem>>, %arg6: memref<5000xi32, #tpu.memory_space<vmem>>, %arg7: memref<4x128x16xf32, #tpu.memory_space<vmem>>, %arg8: memref<632x16xf32, #tpu.memory_space<vmem>>, %arg9: memref<10112x16xf32, #tpu.memory_space<vmem_shared>>, %arg10: memref<10112x16xf32, #tpu.memory_space<vmem_shared>>, %arg11: memref<4x!tpu.dma_semaphore, #tpu.memory_space<semaphore_mem>>) attributes {dimension_semantics = [#tpu.dimension_semantics<core_parallel>, #tpu.dimension_semantics<subcore_parallel>], iteration_bounds = array<i64: 2, 16>, scalar_prefetch = 0 : i64, scratch_operands = 7 : i64, tpu.core_type = #tpu.core_type<sc_vector_subcore>, window_params = [{transform_indices = #map}, {transform_indices = #map1}, {transform_indices = #map2}]} {
    %mul3A = arith.constant 2 : i32
    %mul3A_0 = arith.muli %arg1, %mul3A : i32
    %add3A = arith.addi %mul3A_0, %arg0 : i32
    %mul3A_1 = arith.constant 632 : i32
    %mul3A_2 = arith.muli %arg1, %mul3A_1 : i32
    %scan3A = arith.constant 0 : i32
    %scan3A_3 = arith.constant 0 : i32
    %scan3A_4 = arith.constant 632 : i32
    %scan3A_5 = arith.addi %scan3A_3, %scan3A_4 : i32
    %scan3A_6 = arith.constant 1 : i32
    scf.for %scan3A_34 = %scan3A_3 to %scan3A_5 step %scan3A_6  : i32 {
      %broadcast_in_dim3A = arith.constant 0.000000e+00 : f32
      %broadcast_in_dim3A_35 = vector.broadcast %broadcast_in_dim3A : f32 to vector<16xf32>
      %swap3A = arith.index_cast %scan3A_34 : i32 to index
      %swap3A_36 = arith.constant 0 : index
      %swap3A_37 = tpu.vector_load %arg8[%swap3A, %swap3A_36] {strides = array<i32>} : memref<632x16xf32, #tpu.memory_space<vmem>>, vector<1x16xf32>,
      %swap3A_38 = vector.shape_cast %swap3A_37 : vector<1x16xf32> to vector<16xf32>
      %swap3A_39 = vector.shape_cast %broadcast_in_dim3A_35 : vector<16xf32> to vector<1x16xf32>
      tpu.vector_store %arg8[%swap3A, %swap3A_36], %swap3A_39 {strides = array<i32>} : memref<632x16xf32, #tpu.memory_space<vmem>>, vector<1x16xf32>,
    }
    %scan3A_7 = arith.constant 632 : i32
    "tpu.region"() ({
      %run_scoped3A_34 = tpu.sem_alloc : memref<!tpu.dma_semaphore, #tpu.memory_space<semaphore_mem>>
      %dma_start3A_35 = arith.constant 0 : i32
      %dma_start3A_36 = tpu.memref_slice %arg9[%mul3A_2, %dma_start3A_35] : memref<10112x16xf32, #tpu.memory_space<vmem_shared>> -> memref<632x16xf32, #tpu.memory_space<vmem_shared>>
      %dma_start3A_37 = arith.constant 0 : i32
      %dma_start3A_38 = tpu.memref_slice %arg9[%mul3A_2, %dma_start3A_37] : memref<10112x16xf32, #tpu.memory_space<vmem_shared>> -> memref<632x16xf32, #tpu.memory_space<vmem_shared>>
      tpu.enqueue_dma source(%arg8 : memref<632x16xf32, #tpu.memory_space<vmem>>) target(%dma_start3A_38 : memref<632x16xf32, #tpu.memory_space<vmem_shared>>) target_semaphore(%run_scoped3A_34 : memref<!tpu.dma_semaphore, #tpu.memory_space<semaphore_mem>>)
      %dma_wait3A = arith.constant 0 : i32
      %dma_wait3A_39 = tpu.memref_slice %arg9[%mul3A_2, %dma_wait3A] : memref<10112x16xf32, #tpu.memory_space<vmem_shared>> -> memref<632x16xf32, #tpu.memory_space<vmem_shared>>
      %dma_wait3A_40 = arith.constant 0 : i32
      %dma_wait3A_41 = tpu.memref_slice %arg9[%mul3A_2, %dma_wait3A_40] : memref<10112x16xf32, #tpu.memory_space<vmem_shared>> -> memref<632x16xf32, #tpu.memory_space<vmem_shared>>
      tpu.wait_dma2 semaphore(%run_scoped3A_34 : memref<!tpu.dma_semaphore, #tpu.memory_space<semaphore_mem>>) src(%arg8 : memref<632x16xf32, #tpu.memory_space<vmem>>) dst(%dma_wait3A_41 : memref<632x16xf32, #tpu.memory_space<vmem_shared>>)
      tpu.yield
    }) : () -> ()
    "tpu.region"() ({
      %run_scoped3A_34 = tpu.sem_alloc : memref<!tpu.dma_semaphore, #tpu.memory_space<semaphore_mem>>
      %dma_start3A_35 = arith.constant 0 : i32
      %dma_start3A_36 = tpu.memref_slice %arg10[%mul3A_2, %dma_start3A_35] : memref<10112x16xf32, #tpu.memory_space<vmem_shared>> -> memref<632x16xf32, #tpu.memory_space<vmem_shared>>
      %dma_start3A_37 = arith.constant 0 : i32
      %dma_start3A_38 = tpu.memref_slice %arg2[%mul3A_2, %dma_start3A_37] : memref<10112x16xf32, #tpu.memory_space<hbm>> -> memref<632x16xf32, #tpu.memory_space<hbm>>
      tpu.enqueue_dma source(%dma_start3A_38 : memref<632x16xf32, #tpu.memory_space<hbm>>) target(%dma_start3A_36 : memref<632x16xf32, #tpu.memory_space<vmem_shared>>) target_semaphore(%run_scoped3A_34 : memref<!tpu.dma_semaphore, #tpu.memory_space<semaphore_mem>>)
      %dma_wait3A = arith.constant 0 : i32
      %dma_wait3A_39 = tpu.memref_slice %arg10[%mul3A_2, %dma_wait3A] : memref<10112x16xf32, #tpu.memory_space<vmem_shared>> -> memref<632x16xf32, #tpu.memory_space<vmem_shared>>
      %dma_wait3A_40 = arith.constant 0 : i32
      %dma_wait3A_41 = tpu.memref_slice %arg2[%mul3A_2, %dma_wait3A_40] : memref<10112x16xf32, #tpu.memory_space<hbm>> -> memref<632x16xf32, #tpu.memory_space<hbm>>
      tpu.wait_dma2 semaphore(%run_scoped3A_34 : memref<!tpu.dma_semaphore, #tpu.memory_space<semaphore_mem>>) src(%dma_wait3A_41 : memref<632x16xf32, #tpu.memory_space<hbm>>) dst(%dma_wait3A_39 : memref<632x16xf32, #tpu.memory_space<vmem_shared>>)
      tpu.yield
    }) : () -> ()
    %mul3A_8 = arith.constant 5000 : i32
    %mul3A_9 = arith.muli %add3A, %mul3A_8 : i32
    "tpu.region"() ({
      %run_scoped3A_34 = tpu.sem_alloc : memref<!tpu.dma_semaphore, #tpu.memory_space<semaphore_mem>>
      %dma_start3A_35 = tpu.memref_slice %arg3[%mul3A_9] : memref<320000xi32, #tpu.memory_space<hbm>> -> memref<5000xi32, #tpu.memory_space<hbm>>
      %dma_start3A_36 = tpu.memref_slice %arg3[%mul3A_9] : memref<320000xi32, #tpu.memory_space<hbm>> -> memref<5000xi32, #tpu.memory_space<hbm>>
      tpu.enqueue_dma source(%dma_start3A_36 : memref<5000xi32, #tpu.memory_space<hbm>>) target(%arg5 : memref<5000xi32, #tpu.memory_space<vmem>>) target_semaphore(%run_scoped3A_34 : memref<!tpu.dma_semaphore, #tpu.memory_space<semaphore_mem>>)
      %dma_wait3A = tpu.memref_slice %arg3[%mul3A_9] : memref<320000xi32, #tpu.memory_space<hbm>> -> memref<5000xi32, #tpu.memory_space<hbm>>
      %dma_wait3A_37 = tpu.memref_slice %arg3[%mul3A_9] : memref<320000xi32, #tpu.memory_space<hbm>> -> memref<5000xi32, #tpu.memory_space<hbm>>
      tpu.wait_dma2 semaphore(%run_scoped3A_34 : memref<!tpu.dma_semaphore, #tpu.memory_space<semaphore_mem>>) src(%dma_wait3A_37 : memref<5000xi32, #tpu.memory_space<hbm>>) dst(%arg5 : memref<5000xi32, #tpu.memory_space<vmem>>)
      tpu.yield
    }) : () -> ()
    %mul3A_10 = arith.constant 5000 : i32
    %mul3A_11 = arith.muli %add3A, %mul3A_10 : i32
    %add3A_12 = arith.constant 160000 : i32
    %add3A_13 = arith.addi %add3A_12, %mul3A_11 : i32
    "tpu.region"() ({
      %run_scoped3A_34 = tpu.sem_alloc : memref<!tpu.dma_semaphore, #tpu.memory_space<semaphore_mem>>
      %dma_start3A_35 = tpu.memref_slice %arg3[%add3A_13] : memref<320000xi32, #tpu.memory_space<hbm>> -> memref<5000xi32, #tpu.memory_space<hbm>>
      %dma_start3A_36 = tpu.memref_slice %arg3[%add3A_13] : memref<320000xi32, #tpu.memory_space<hbm>> -> memref<5000xi32, #tpu.memory_space<hbm>>
      tpu.enqueue_dma source(%dma_start3A_36 : memref<5000xi32, #tpu.memory_space<hbm>>) target(%arg6 : memref<5000xi32, #tpu.memory_space<vmem>>) target_semaphore(%run_scoped3A_34 : memref<!tpu.dma_semaphore, #tpu.memory_space<semaphore_mem>>)
      %dma_wait3A = tpu.memref_slice %arg3[%add3A_13] : memref<320000xi32, #tpu.memory_space<hbm>> -> memref<5000xi32, #tpu.memory_space<hbm>>
      %dma_wait3A_37 = tpu.memref_slice %arg3[%add3A_13] : memref<320000xi32, #tpu.memory_space<hbm>> -> memref<5000xi32, #tpu.memory_space<hbm>>
      tpu.wait_dma2 semaphore(%run_scoped3A_34 : memref<!tpu.dma_semaphore, #tpu.memory_space<semaphore_mem>>) src(%dma_wait3A_37 : memref<5000xi32, #tpu.memory_space<hbm>>) dst(%arg6 : memref<5000xi32, #tpu.memory_space<vmem>>)
      tpu.yield
    }) : () -> ()
    %barrier3A = arith.constant 0 : index
    tpu.barrier barrier_id(%barrier3A)
    %dma_start3A = arith.constant 0 : i32
    %dma_start3A_14 = arith.constant 0 : i32
    %dma_start3A_15 = arith.constant 0 : i32
    %dma_start3A_16 = arith.constant 0 : i32
    %dma_start3A_17 = tpu.memref_slice %arg7[%dma_start3A, %dma_start3A_15, %dma_start3A_16] : memref<4x128x16xf32, #tpu.memory_space<vmem>> -> memref<1x128x16xf32, #tpu.memory_space<vmem>>
    %dma_start3A_18 = tpu.memref_squeeze %dma_start3A_17 : memref<1x128x16xf32, #tpu.memory_space<vmem>> -> memref<128x16xf32, #tpu.memory_space<vmem>>
    %dma_start3A_19 = arith.constant 0 : i32
    %dma_start3A_20 = tpu.memref_slice %arg5[%dma_start3A_19] : memref<5000xi32, #tpu.memory_space<vmem>> -> memref<128xi32, #tpu.memory_space<vmem>>
    %dma_start3A_21 = arith.constant 0 : i32
    %dma_start3A_22 = arith.constant 0 : i32
    %dma_start3A_23 = tpu.memref_slice %arg10[%dma_start3A_21, %dma_start3A_22] : memref<10112x16xf32, #tpu.memory_space<vmem_shared>> -> memref<10112x16xf32, #tpu.memory_space<vmem_shared>>
    %dma_start3A_24 = tpu.memref_slice %arg11[%dma_start3A_14] : memref<4x!tpu.dma_semaphore, #tpu.memory_space<semaphore_mem>> -> memref<1x!tpu.dma_semaphore, #tpu.memory_space<semaphore_mem>>
    %dma_start3A_25 = tpu.memref_squeeze %dma_start3A_24 : memref<1x!tpu.dma_semaphore, #tpu.memory_space<semaphore_mem>> -> memref<!tpu.dma_semaphore, #tpu.memory_space<semaphore_mem>>
    tpu.enqueue_indirect_dma source(%dma_start3A_23 : memref<10112x16xf32, #tpu.memory_space<vmem_shared>>) target(%dma_start3A_18 : memref<128x16xf32, #tpu.memory_space<vmem>>) offsets(%dma_start3A_20 : memref<128xi32, #tpu.memory_space<vmem>>) semaphore(%dma_start3A_25 : memref<!tpu.dma_semaphore, #tpu.memory_space<semaphore_mem>>)
    %scan3A_26 = arith.constant 0 : i32
    %scan3A_27 = arith.constant 0 : i32
    %scan3A_28 = arith.constant 39 : i32
    %scan3A_29 = arith.addi %scan3A_27, %scan3A_28 : i32
    %scan3A_30 = arith.constant 1 : i32
    scf.for %scan3A_34 = %scan3A_27 to %scan3A_29 step %scan3A_30  : i32 {
      %add3A_35 = arith.constant 1 : i32
      %add3A_36 = arith.addi %scan3A_34, %add3A_35 : i32
      %lt3A = arith.constant 39 : i32
      %lt3A_37 = arith.cmpi slt, %add3A_36, %lt3A : i32
      %convert_element_type3A = arith.extui %lt3A_37 : i1 to i32
      %cond3A = arith.constant 0 : i32
      %cond3A_38 = arith.cmpi ne, %convert_element_type3A, %cond3A : i32
      scf.if %cond3A_38 {
        %add3A_51 = arith.constant 1 : i32
        %add3A_52 = arith.addi %scan3A_34, %add3A_51 : i32
        %mul3A_53 = arith.constant 128 : i32
        %mul3A_54 = arith.muli %add3A_52, %mul3A_53 : i32
        %multiple_of3A_55 = tpu.assume_multiple %mul3A_54, 8 : i32
        %add3A_56 = arith.constant 1 : i32
        %add3A_57 = arith.addi %scan3A_34, %add3A_56 : i32
        %rem3A_58 = arith.constant 4 : i32
        %rem3A_59 = arith.remsi %add3A_57, %rem3A_58 : i32
        %dma_start3A_60 = arith.constant 0 : i32
        %dma_start3A_61 = arith.constant 0 : i32
        %dma_start3A_62 = tpu.memref_slice %arg7[%rem3A_59, %dma_start3A_60, %dma_start3A_61] : memref<4x128x16xf32, #tpu.memory_space<vmem>> -> memref<1x128x16xf32, #tpu.memory_space<vmem>>
        %dma_start3A_63 = tpu.memref_squeeze %dma_start3A_62 : memref<1x128x16xf32, #tpu.memory_space<vmem>> -> memref<128x16xf32, #tpu.memory_space<vmem>>
        %dma_start3A_64 = tpu.memref_slice %arg5[%multiple_of3A_55] : memref<5000xi32, #tpu.memory_space<vmem>> -> memref<128xi32, #tpu.memory_space<vmem>>
        %dma_start3A_65 = arith.constant 0 : i32
        %dma_start3A_66 = arith.constant 0 : i32
        %dma_start3A_67 = tpu.memref_slice %arg10[%dma_start3A_65, %dma_start3A_66] : memref<10112x16xf32, #tpu.memory_space<vmem_shared>> -> memref<10112x16xf32, #tpu.memory_space<vmem_shared>>
        %dma_start3A_68 = tpu.memref_slice %arg11[%rem3A_59] : memref<4x!tpu.dma_semaphore, #tpu.memory_space<semaphore_mem>> -> memref<1x!tpu.dma_semaphore, #tpu.memory_space<semaphore_mem>>
        %dma_start3A_69 = tpu.memref_squeeze %dma_start3A_68 : memref<1x!tpu.dma_semaphore, #tpu.memory_space<semaphore_mem>> -> memref<!tpu.dma_semaphore, #tpu.memory_space<semaphore_mem>>
        tpu.enqueue_indirect_dma source(%dma_start3A_67 : memref<10112x16xf32, #tpu.memory_space<vmem_shared>>) target(%dma_start3A_63 : memref<128x16xf32, #tpu.memory_space<vmem>>) offsets(%dma_start3A_64 : memref<128xi32, #tpu.memory_space<vmem>>) semaphore(%dma_start3A_69 : memref<!tpu.dma_semaphore, #tpu.memory_space<semaphore_mem>>)
      } else {
      }
      %mul3A_39 = arith.constant 128 : i32
      %mul3A_40 = arith.muli %scan3A_34, %mul3A_39 : i32
      %multiple_of3A = tpu.assume_multiple %mul3A_40, 8 : i32
      %rem3A = arith.constant 4 : i32
      %rem3A_41 = arith.remsi %scan3A_34, %rem3A : i32
      %dma_wait3A = arith.constant 0 : i32
      %dma_wait3A_42 = arith.constant 0 : i32
      %dma_wait3A_43 = tpu.memref_slice %arg7[%rem3A_41, %dma_wait3A, %dma_wait3A_42] : memref<4x128x16xf32, #tpu.memory_space<vmem>> -> memref<1x128x16xf32, #tpu.memory_space<vmem>>
      %dma_wait3A_44 = tpu.memref_squeeze %dma_wait3A_43 : memref<1x128x16xf32, #tpu.memory_space<vmem>> -> memref<128x16xf32, #tpu.memory_space<vmem>>
      %dma_wait3A_45 = tpu.memref_slice %arg5[%multiple_of3A] : memref<5000xi32, #tpu.memory_space<vmem>> -> memref<128xi32, #tpu.memory_space<vmem>>
      %dma_wait3A_46 = arith.constant 0 : i32
      %dma_wait3A_47 = arith.constant 0 : i32
      %dma_wait3A_48 = tpu.memref_slice %arg10[%dma_wait3A_46, %dma_wait3A_47] : memref<10112x16xf32, #tpu.memory_space<vmem_shared>> -> memref<10112x16xf32, #tpu.memory_space<vmem_shared>>
      %dma_wait3A_49 = tpu.memref_slice %arg11[%rem3A_41] : memref<4x!tpu.dma_semaphore, #tpu.memory_space<semaphore_mem>> -> memref<1x!tpu.dma_semaphore, #tpu.memory_space<semaphore_mem>>
      %dma_wait3A_50 = tpu.memref_squeeze %dma_wait3A_49 : memref<1x!tpu.dma_semaphore, #tpu.memory_space<semaphore_mem>> -> memref<!tpu.dma_semaphore, #tpu.memory_space<semaphore_mem>>
      tpu.wait_indirect_dma semaphore(%dma_wait3A_50 : memref<!tpu.dma_semaphore, #tpu.memory_space<semaphore_mem>>) src(%dma_wait3A_48 : memref<10112x16xf32, #tpu.memory_space<vmem_shared>>) dst(%dma_wait3A_44 : memref<128x16xf32, #tpu.memory_space<vmem>>)
      "tpu.region"() ({
        %run_scoped3A_51 = tpu.sem_alloc : memref<!tpu.dma_semaphore, #tpu.memory_space<semaphore_mem>>
        %dma_start3A_52 = arith.constant 0 : i32
        %dma_start3A_53 = arith.constant 0 : i32
        %dma_start3A_54 = tpu.memref_slice %arg7[%rem3A_41, %dma_start3A_52, %dma_start3A_53] : memref<4x128x16xf32, #tpu.memory_space<vmem>> -> memref<1x128x16xf32, #tpu.memory_space<vmem>>
        %dma_start3A_55 = tpu.memref_squeeze %dma_start3A_54 : memref<1x128x16xf32, #tpu.memory_space<vmem>> -> memref<128x16xf32, #tpu.memory_space<vmem>>
        %dma_start3A_56 = tpu.memref_slice %arg6[%multiple_of3A] : memref<5000xi32, #tpu.memory_space<vmem>> -> memref<128xi32, #tpu.memory_space<vmem>>
        %dma_start3A_57 = arith.constant 0 : i32
        %dma_start3A_58 = arith.constant 0 : i32
        %dma_start3A_59 = tpu.memref_slice %arg9[%dma_start3A_57, %dma_start3A_58] : memref<10112x16xf32, #tpu.memory_space<vmem_shared>> -> memref<10112x16xf32, #tpu.memory_space<vmem_shared>>
        tpu.enqueue_indirect_dma source(%dma_start3A_55 : memref<128x16xf32, #tpu.memory_space<vmem>>) target(%dma_start3A_59 : memref<10112x16xf32, #tpu.memory_space<vmem_shared>>) offsets(%dma_start3A_56 : memref<128xi32, #tpu.memory_space<vmem>>) semaphore(%run_scoped3A_51 : memref<!tpu.dma_semaphore, #tpu.memory_space<semaphore_mem>>) {add = true}
        %dma_wait3A_60 = arith.constant 0 : i32
        %dma_wait3A_61 = arith.constant 0 : i32
        %dma_wait3A_62 = tpu.memref_slice %arg7[%rem3A_41, %dma_wait3A_60, %dma_wait3A_61] : memref<4x128x16xf32, #tpu.memory_space<vmem>> -> memref<1x128x16xf32, #tpu.memory_space<vmem>>
        %dma_wait3A_63 = tpu.memref_squeeze %dma_wait3A_62 : memref<1x128x16xf32, #tpu.memory_space<vmem>> -> memref<128x16xf32, #tpu.memory_space<vmem>>
        %dma_wait3A_64 = tpu.memref_slice %arg6[%multiple_of3A] : memref<5000xi32, #tpu.memory_space<vmem>> -> memref<128xi32, #tpu.memory_space<vmem>>
        %dma_wait3A_65 = arith.constant 0 : i32
        %dma_wait3A_66 = arith.constant 0 : i32
        %dma_wait3A_67 = tpu.memref_slice %arg9[%dma_wait3A_65, %dma_wait3A_66] : memref<10112x16xf32, #tpu.memory_space<vmem_shared>> -> memref<10112x16xf32, #tpu.memory_space<vmem_shared>>
        tpu.wait_indirect_dma semaphore(%run_scoped3A_51 : memref<!tpu.dma_semaphore, #tpu.memory_space<semaphore_mem>>) src(%dma_wait3A_63 : memref<128x16xf32, #tpu.memory_space<vmem>>) dst(%dma_wait3A_67 : memref<10112x16xf32, #tpu.memory_space<vmem_shared>>)
        tpu.yield
      }) : () -> ()
    }
    %scan3A_31 = arith.constant 39 : i32
    %run_scoped3A = arith.constant 3 : i32
    "tpu.region"() ({
      %run_scoped3A_34 = tpu.sem_alloc : memref<!tpu.dma_semaphore, #tpu.memory_space<semaphore_mem>>
      %dma_start3A_35 = arith.constant 0 : i32
      %dma_start3A_36 = arith.constant 0 : i32
      %dma_start3A_37 = tpu.memref_slice %arg7[%run_scoped3A, %dma_start3A_35, %dma_start3A_36] : memref<4x128x16xf32, #tpu.memory_space<vmem>> -> memref<1x8x16xf32, #tpu.memory_space<vmem>>
      %dma_start3A_38 = tpu.memref_squeeze %dma_start3A_37 : memref<1x8x16xf32, #tpu.memory_space<vmem>> -> memref<8x16xf32, #tpu.memory_space<vmem>>
      %dma_start3A_39 = arith.constant 4992 : i32
      %dma_start3A_40 = tpu.memref_slice %arg5[%dma_start3A_39] : memref<5000xi32, #tpu.memory_space<vmem>> -> memref<8xi32, #tpu.memory_space<vmem>>
      %dma_start3A_41 = arith.constant 0 : i32
      %dma_start3A_42 = arith.constant 0 : i32
      %dma_start3A_43 = tpu.memref_slice %arg10[%dma_start3A_41, %dma_start3A_42] : memref<10112x16xf32, #tpu.memory_space<vmem_shared>> -> memref<10112x16xf32, #tpu.memory_space<vmem_shared>>
      tpu.enqueue_indirect_dma source(%dma_start3A_43 : memref<10112x16xf32, #tpu.memory_space<vmem_shared>>) target(%dma_start3A_38 : memref<8x16xf32, #tpu.memory_space<vmem>>) offsets(%dma_start3A_40 : memref<8xi32, #tpu.memory_space<vmem>>) semaphore(%run_scoped3A_34 : memref<!tpu.dma_semaphore, #tpu.memory_space<semaphore_mem>>)
      %dma_wait3A = arith.constant 0 : i32
      %dma_wait3A_44 = arith.constant 0 : i32
      %dma_wait3A_45 = tpu.memref_slice %arg7[%run_scoped3A, %dma_wait3A, %dma_wait3A_44] : memref<4x128x16xf32, #tpu.memory_space<vmem>> -> memref<1x8x16xf32, #tpu.memory_space<vmem>>
      %dma_wait3A_46 = tpu.memref_squeeze %dma_wait3A_45 : memref<1x8x16xf32, #tpu.memory_space<vmem>> -> memref<8x16xf32, #tpu.memory_space<vmem>>
      %dma_wait3A_47 = arith.constant 4992 : i32
      %dma_wait3A_48 = tpu.memref_slice %arg5[%dma_wait3A_47] : memref<5000xi32, #tpu.memory_space<vmem>> -> memref<8xi32, #tpu.memory_space<vmem>>
      %dma_wait3A_49 = arith.constant 0 : i32
      %dma_wait3A_50 = arith.constant 0 : i32
      %dma_wait3A_51 = tpu.memref_slice %arg10[%dma_wait3A_49, %dma_wait3A_50] : memref<10112x16xf32, #tpu.memory_space<vmem_shared>> -> memref<10112x16xf32, #tpu.memory_space<vmem_shared>>
      tpu.wait_indirect_dma semaphore(%run_scoped3A_34 : memref<!tpu.dma_semaphore, #tpu.memory_space<semaphore_mem>>) src(%dma_wait3A_51 : memref<10112x16xf32, #tpu.memory_space<vmem_shared>>) dst(%dma_wait3A_46 : memref<8x16xf32, #tpu.memory_space<vmem>>)
      tpu.yield
    }) : () -> ()
    %run_scoped3A_32 = arith.constant 3 : i32
    "tpu.region"() ({
      %run_scoped3A_34 = tpu.sem_alloc : memref<!tpu.dma_semaphore, #tpu.memory_space<semaphore_mem>>
      %dma_start3A_35 = arith.constant 0 : i32
      %dma_start3A_36 = arith.constant 0 : i32
      %dma_start3A_37 = tpu.memref_slice %arg7[%run_scoped3A_32, %dma_start3A_35, %dma_start3A_36] : memref<4x128x16xf32, #tpu.memory_space<vmem>> -> memref<1x8x16xf32, #tpu.memory_space<vmem>>
      %dma_start3A_38 = tpu.memref_squeeze %dma_start3A_37 : memref<1x8x16xf32, #tpu.memory_space<vmem>> -> memref<8x16xf32, #tpu.memory_space<vmem>>
      %dma_start3A_39 = arith.constant 4992 : i32
      %dma_start3A_40 = tpu.memref_slice %arg6[%dma_start3A_39] : memref<5000xi32, #tpu.memory_space<vmem>> -> memref<8xi32, #tpu.memory_space<vmem>>
      %dma_start3A_41 = arith.constant 0 : i32
      %dma_start3A_42 = arith.constant 0 : i32
      %dma_start3A_43 = tpu.memref_slice %arg9[%dma_start3A_41, %dma_start3A_42] : memref<10112x16xf32, #tpu.memory_space<vmem_shared>> -> memref<10112x16xf32, #tpu.memory_space<vmem_shared>>
      tpu.enqueue_indirect_dma source(%dma_start3A_38 : memref<8x16xf32, #tpu.memory_space<vmem>>) target(%dma_start3A_43 : memref<10112x16xf32, #tpu.memory_space<vmem_shared>>) offsets(%dma_start3A_40 : memref<8xi32, #tpu.memory_space<vmem>>) semaphore(%run_scoped3A_34 : memref<!tpu.dma_semaphore, #tpu.memory_space<semaphore_mem>>) {add = true}
      %dma_wait3A = arith.constant 0 : i32
      %dma_wait3A_44 = arith.constant 0 : i32
      %dma_wait3A_45 = tpu.memref_slice %arg7[%run_scoped3A_32, %dma_wait3A, %dma_wait3A_44] : memref<4x128x16xf32, #tpu.memory_space<vmem>> -> memref<1x8x16xf32, #tpu.memory_space<vmem>>
      %dma_wait3A_46 = tpu.memref_squeeze %dma_wait3A_45 : memref<1x8x16xf32, #tpu.memory_space<vmem>> -> memref<8x16xf32, #tpu.memory_space<vmem>>
      %dma_wait3A_47 = arith.constant 4992 : i32
      %dma_wait3A_48 = tpu.memref_slice %arg6[%dma_wait3A_47] : memref<5000xi32, #tpu.memory_space<vmem>> -> memref<8xi32, #tpu.memory_space<vmem>>
      %dma_wait3A_49 = arith.constant 0 : i32
      %dma_wait3A_50 = arith.constant 0 : i32
      %dma_wait3A_51 = tpu.memref_slice %arg9[%dma_wait3A_49, %dma_wait3A_50] : memref<10112x16xf32, #tpu.memory_space<vmem_shared>> -> memref<10112x16xf32, #tpu.memory_space<vmem_shared>>
      tpu.wait_indirect_dma semaphore(%run_scoped3A_34 : memref<!tpu.dma_semaphore, #tpu.memory_space<semaphore_mem>>) src(%dma_wait3A_46 : memref<8x16xf32, #tpu.memory_space<vmem>>) dst(%dma_wait3A_51 : memref<10112x16xf32, #tpu.memory_space<vmem_shared>>)
      tpu.yield
    }) : () -> ()
    %barrier3A_33 = arith.constant 0 : index
    tpu.barrier barrier_id(%barrier3A_33)
    "tpu.region"() ({
      %run_scoped3A_34 = tpu.sem_alloc : memref<!tpu.dma_semaphore, #tpu.memory_space<semaphore_mem>>
      %dma_start3A_35 = arith.constant 0 : i32
      %dma_start3A_36 = tpu.memref_slice %arg4[%arg0, %mul3A_2, %dma_start3A_35] : memref<2x10112x16xf32, #tpu.memory_space<hbm>> -> memref<1x632x16xf32, #tpu.memory_space<hbm>>
      %dma_start3A_37 = tpu.memref_squeeze %dma_start3A_36 : memref<1x632x16xf32, #tpu.memory_space<hbm>> -> memref<632x16xf32, #tpu.memory_space<hbm>>
      %dma_start3A_38 = arith.constant 0 : i32
      %dma_start3A_39 = tpu.memref_slice %arg9[%mul3A_2, %dma_start3A_38] : memref<10112x16xf32, #tpu.memory_space<vmem_shared>> -> memref<632x16xf32, #tpu.memory_space<vmem_shared>>
      tpu.enqueue_dma source(%dma_start3A_39 : memref<632x16xf32, #tpu.memory_space<vmem_shared>>) target(%dma_start3A_37 : memref<632x16xf32, #tpu.memory_space<hbm>>) target_semaphore(%run_scoped3A_34 : memref<!tpu.dma_semaphore, #tpu.memory_space<semaphore_mem>>)
      %dma_wait3A = arith.constant 0 : i32
      %dma_wait3A_40 = tpu.memref_slice %arg4[%arg0, %mul3A_2, %dma_wait3A] : memref<2x10112x16xf32, #tpu.memory_space<hbm>> -> memref<1x632x16xf32, #tpu.memory_space<hbm>>
      %dma_wait3A_41 = tpu.memref_squeeze %dma_wait3A_40 : memref<1x632x16xf32, #tpu.memory_space<hbm>> -> memref<632x16xf32, #tpu.memory_space<hbm>>
      %dma_wait3A_42 = arith.constant 0 : i32
      %dma_wait3A_43 = tpu.memref_slice %arg9[%mul3A_2, %dma_wait3A_42] : memref<10112x16xf32, #tpu.memory_space<vmem_shared>> -> memref<632x16xf32, #tpu.memory_space<vmem_shared>>
      tpu.wait_dma2 semaphore(%run_scoped3A_34 : memref<!tpu.dma_semaphore, #tpu.memory_space<semaphore_mem>>) src(%dma_wait3A_43 : memref<632x16xf32, #tpu.memory_space<vmem_shared>>) dst(%dma_wait3A_41 : memref<632x16xf32, #tpu.memory_space<hbm>>)
      tpu.yield
    }) : () -> ()
    return
  }
}

module attributes {stable_mosaic.version = 14 : i64} {
  func.func @body(%arg0: i32, %arg1: memref<1264x500xf32, #tpu.memory_space<vmem>>, %arg2: memref<500x16xf32, #tpu.memory_space<vmem>>, %arg3: memref<1264x16xf32, #tpu.memory_space<vmem>>) attributes {dimension_semantics = [#tpu.dimension_semantics<arbitrary>], iteration_bounds = array<i64: 8>, scalar_prefetch = 0 : i64, scratch_operands = 0 : i64, tpu.core_type = #tpu.core_type<tc>, window_params = [{transform_indices = @transform_0, window_bounds = array<i64: 1264, 500>}, {pipeline_mode = #tpu.pipeline_mode<synchronous>, transform_indices = @transform_1, window_bounds = array<i64: 500, 16>}, {transform_indices = @transform_2, window_bounds = array<i64: 1264, 16>}]} {
    %get3A = arith.constant 0 : index
    %get3A_0 = arith.constant 0 : index
    %get3A_1 = vector.load %arg1[%get3A, %get3A_0] : memref<1264x500xf32, #tpu.memory_space<vmem>>, vector<1264x500xf32>
    %get3A_2 = arith.constant 0 : index
    %get3A_3 = arith.constant 0 : index
    %get3A_4 = vector.load %arg2[%get3A_2, %get3A_3] : memref<500x16xf32, #tpu.memory_space<vmem>>, vector<500x16xf32>
    %dot_general3A = arith.constant dense<0.000000e+00> : vector<1264x16xf32>
    %dot_general3A_5 = tpu.matmul %get3A_1, %get3A_4, %dot_general3A {dimension_numbers = #tpu.dot_dimension_numbers<[1], [0], [0], [1], [0, 0, 1, 1], [], []>, transpose_lhs_hint = false} : vector<1264x500xf32>, vector<500x16xf32>, vector<1264x16xf32> -> vector<1264x16xf32>
    %swap3A = arith.constant 0 : index
    %swap3A_6 = arith.constant 0 : index
    %swap3A_7 = vector.load %arg3[%swap3A, %swap3A_6] : memref<1264x16xf32, #tpu.memory_space<vmem>>, vector<1264x16xf32>
    tpu.vector_store %arg3[%swap3A, %swap3A_6], %dot_general3A_5 {strides = array<i32>} : memref<1264x16xf32, #tpu.memory_space<vmem>>, vector<1264x16xf32>,
    return
  }
  func.func @transform_0(%arg0: i32) -> (i32, i32) {
    %c0_i32 = arith.constant 0 : i32
    %c0_i32_0 = arith.constant 0 : i32
    return %arg0, %c0_i32 : i32, i32
  }
  func.func @transform_1(%arg0: i32) -> (i32, i32) {
    %c0_i32 = arith.constant 0 : i32
    %c0_i32_0 = arith.constant 0 : i32
    %c0_i32_1 = arith.constant 0 : i32
    return %c0_i32, %c0_i32_0 : i32, i32
  }
  func.func @transform_2(%arg0: i32) -> (i32, i32) {
    %c0_i32 = arith.constant 0 : i32
    %c0_i32_0 = arith.constant 0 : i32
    return %arg0, %c0_i32 : i32, i32
  }
}

module attributes {stable_mosaic.version = 14 : i64} {
  func.func @body(%arg0: memref<2x160000xi32, #tpu.memory_space<vmem>>, %arg1: memref<320000xi32, #tpu.memory_space<vmem>>) attributes {dimension_semantics = [], scalar_prefetch = 0 : i64, scratch_operands = 0 : i64, tpu.core_type = #tpu.core_type<tc>} {
    %get3A = arith.constant 0 : index
    %get3A_0 = arith.constant 0 : index
    %get3A_1 = vector.load %arg0[%get3A, %get3A_0] : memref<2x160000xi32, #tpu.memory_space<vmem>>, vector<1x160000xi32>
    %get3A_2 = vector.shape_cast %get3A_1 : vector<1x160000xi32> to vector<160000xi32>
    %swap3A = arith.constant 0 : index
    %swap3A_3 = vector.load %arg1[%swap3A] : memref<320000xi32, #tpu.memory_space<vmem>>, vector<160000xi32>
    tpu.vector_store %arg1[%swap3A], %get3A_2 {strides = array<i32>} : memref<320000xi32, #tpu.memory_space<vmem>>, vector<160000xi32>,
    %get3A_4 = arith.constant 1 : index
    %get3A_5 = arith.constant 0 : index
    %get3A_6 = vector.load %arg0[%get3A_4, %get3A_5] : memref<2x160000xi32, #tpu.memory_space<vmem>>, vector<1x160000xi32>
    %get3A_7 = vector.shape_cast %get3A_6 : vector<1x160000xi32> to vector<160000xi32>
    %swap3A_8 = arith.constant 160000 : index
    %swap3A_9 = vector.load %arg1[%swap3A_8] : memref<320000xi32, #tpu.memory_space<vmem>>, vector<160000xi32>
    tpu.vector_store %arg1[%swap3A_8], %get3A_7 {strides = array<i32>} : memref<320000xi32, #tpu.memory_space<vmem>>, vector<160000xi32>,
    return
  }
}

module attributes {stable_mosaic.version = 14 : i64} {
  func.func @body(%arg0: memref<2x1264x128xf32, #tpu.memory_space<vmem>>, %arg1: memref<2x2x1264x128xf32, #tpu.memory_space<vmem>>, %arg2: memref<1x128xf32, #tpu.memory_space<vmem>>, %arg3: memref<1264x128xf32, #tpu.memory_space<vmem>>) attributes {dimension_semantics = [], scalar_prefetch = 0 : i64, scratch_operands = 0 : i64, tpu.core_type = #tpu.core_type<tc>} {
    %get3A = arith.constant 0 : index
    %get3A_0 = arith.constant 0 : index
    %get3A_1 = arith.constant 0 : index
    %get3A_2 = vector.load %arg0[%get3A, %get3A_0, %get3A_1] : memref<2x1264x128xf32, #tpu.memory_space<vmem>>, vector<1x1264x128xf32>
    %get3A_3 = vector.shape_cast %get3A_2 : vector<1x1264x128xf32> to vector<1264x128xf32>
    %get3A_4 = arith.constant 1 : index
    %get3A_5 = arith.constant 0 : index
    %get3A_6 = arith.constant 0 : index
    %get3A_7 = vector.load %arg0[%get3A_4, %get3A_5, %get3A_6] : memref<2x1264x128xf32, #tpu.memory_space<vmem>>, vector<1x1264x128xf32>
    %get3A_8 = vector.shape_cast %get3A_7 : vector<1x1264x128xf32> to vector<1264x128xf32>
    %add3A = arith.addf %get3A_3, %get3A_8 : vector<1264x128xf32>
    %get3A_9 = arith.constant 0 : index
    %get3A_10 = arith.constant 0 : index
    %get3A_11 = arith.constant 0 : index
    %get3A_12 = arith.constant 0 : index
    %get3A_13 = vector.load %arg1[%get3A_9, %get3A_10, %get3A_11, %get3A_12] : memref<2x2x1264x128xf32, #tpu.memory_space<vmem>>, vector<1x1x1264x128xf32>
    %get3A_14 = vector.shape_cast %get3A_13 : vector<1x1x1264x128xf32> to vector<1264x128xf32>
    %get3A_15 = arith.constant 1 : index
    %get3A_16 = arith.constant 0 : index
    %get3A_17 = arith.constant 0 : index
    %get3A_18 = arith.constant 0 : index
    %get3A_19 = vector.load %arg1[%get3A_15, %get3A_16, %get3A_17, %get3A_18] : memref<2x2x1264x128xf32, #tpu.memory_space<vmem>>, vector<1x1x1264x128xf32>
    %get3A_20 = vector.shape_cast %get3A_19 : vector<1x1x1264x128xf32> to vector<1264x128xf32>
    %add3A_21 = arith.addf %get3A_14, %get3A_20 : vector<1264x128xf32>
    %get3A_22 = arith.constant 0 : index
    %get3A_23 = arith.constant 1 : index
    %get3A_24 = arith.constant 0 : index
    %get3A_25 = arith.constant 0 : index
    %get3A_26 = vector.load %arg1[%get3A_22, %get3A_23, %get3A_24, %get3A_25] : memref<2x2x1264x128xf32, #tpu.memory_space<vmem>>, vector<1x1x1264x128xf32>
    %get3A_27 = vector.shape_cast %get3A_26 : vector<1x1x1264x128xf32> to vector<1264x128xf32>
    %get3A_28 = arith.constant 1 : index
    %get3A_29 = arith.constant 1 : index
    %get3A_30 = arith.constant 0 : index
    %get3A_31 = arith.constant 0 : index
    %get3A_32 = vector.load %arg1[%get3A_28, %get3A_29, %get3A_30, %get3A_31] : memref<2x2x1264x128xf32, #tpu.memory_space<vmem>>, vector<1x1x1264x128xf32>
    %get3A_33 = vector.shape_cast %get3A_32 : vector<1x1x1264x128xf32> to vector<1264x128xf32>
    %add3A_34 = arith.addf %get3A_27, %get3A_33 : vector<1264x128xf32>
    %max3A = arith.constant 1.000000e+00 : f32
    %max3A_35 = vector.broadcast %max3A : f32 to vector<1264x128xf32>
    %max3A_36 = arith.maximumf %add3A_34, %max3A_35 : vector<1264x128xf32>
    %rsqrt3A = math.rsqrt %max3A_36 : vector<1264x128xf32>
    %mul3A = arith.mulf %add3A, %rsqrt3A : vector<1264x128xf32>
    %get3A_37 = arith.constant 0 : index
    %get3A_38 = arith.constant 0 : index
    %get3A_39 = vector.load %arg2[%get3A_37, %get3A_38] : memref<1x128xf32, #tpu.memory_space<vmem>>, vector<1x128xf32>
    %add3A_40 = vector.broadcast %get3A_39 : vector<1x128xf32> to vector<1264x128xf32>
    %add3A_41 = arith.addf %mul3A, %add3A_40 : vector<1264x128xf32>
    %max3A_42 = arith.constant 0.000000e+00 : f32
    %max3A_43 = vector.broadcast %max3A_42 : f32 to vector<1264x128xf32>
    %max3A_44 = arith.maximumf %add3A_41, %max3A_43 : vector<1264x128xf32>
    %max3A_45 = arith.constant 1.000000e+00 : f32
    %max3A_46 = vector.broadcast %max3A_45 : f32 to vector<1264x128xf32>
    %max3A_47 = arith.maximumf %add3A_21, %max3A_46 : vector<1264x128xf32>
    %rsqrt3A_48 = math.rsqrt %max3A_47 : vector<1264x128xf32>
    %mul3A_49 = arith.mulf %max3A_44, %rsqrt3A_48 : vector<1264x128xf32>
    %swap3A = arith.constant 0 : index
    %swap3A_50 = arith.constant 0 : index
    %swap3A_51 = vector.load %arg3[%swap3A, %swap3A_50] : memref<1264x128xf32, #tpu.memory_space<vmem>>, vector<1264x128xf32>
    tpu.vector_store %arg3[%swap3A, %swap3A_50], %mul3A_49 {strides = array<i32>} : memref<1264x128xf32, #tpu.memory_space<vmem>>, vector<1264x128xf32>,
    return
  }
}

module attributes {stable_mosaic.version = 14 : i64} {
  func.func @body(%arg0: memref<1264x128xf32, #tpu.memory_space<vmem>>, %arg1: memref<2x2x1264x128xf32, #tpu.memory_space<vmem>>, %arg2: memref<1264x128xf32, #tpu.memory_space<vmem>>) attributes {dimension_semantics = [], scalar_prefetch = 0 : i64, scratch_operands = 0 : i64, tpu.core_type = #tpu.core_type<tc>} {
    %get3A = arith.constant 0 : index
    %get3A_0 = arith.constant 0 : index
    %get3A_1 = arith.constant 0 : index
    %get3A_2 = arith.constant 0 : index
    %get3A_3 = vector.load %arg1[%get3A, %get3A_0, %get3A_1, %get3A_2] : memref<2x2x1264x128xf32, #tpu.memory_space<vmem>>, vector<1x1x1264x128xf32>
    %get3A_4 = vector.shape_cast %get3A_3 : vector<1x1x1264x128xf32> to vector<1264x128xf32>
    %get3A_5 = arith.constant 1 : index
    %get3A_6 = arith.constant 0 : index
    %get3A_7 = arith.constant 0 : index
    %get3A_8 = arith.constant 0 : index
    %get3A_9 = vector.load %arg1[%get3A_5, %get3A_6, %get3A_7, %get3A_8] : memref<2x2x1264x128xf32, #tpu.memory_space<vmem>>, vector<1x1x1264x128xf32>
    %get3A_10 = vector.shape_cast %get3A_9 : vector<1x1x1264x128xf32> to vector<1264x128xf32>
    %add3A = arith.addf %get3A_4, %get3A_10 : vector<1264x128xf32>
    %get3A_11 = arith.constant 0 : index
    %get3A_12 = arith.constant 0 : index
    %get3A_13 = vector.load %arg0[%get3A_11, %get3A_12] : memref<1264x128xf32, #tpu.memory_space<vmem>>, vector<1264x128xf32>
    %max3A = arith.constant 1.000000e+00 : f32
    %max3A_14 = vector.broadcast %max3A : f32 to vector<1264x128xf32>
    %max3A_15 = arith.maximumf %add3A, %max3A_14 : vector<1264x128xf32>
    %rsqrt3A = math.rsqrt %max3A_15 : vector<1264x128xf32>
    %mul3A = arith.mulf %get3A_13, %rsqrt3A : vector<1264x128xf32>
    %swap3A = arith.constant 0 : index
    %swap3A_16 = arith.constant 0 : index
    %swap3A_17 = vector.load %arg2[%swap3A, %swap3A_16] : memref<1264x128xf32, #tpu.memory_space<vmem>>, vector<1264x128xf32>
    tpu.vector_store %arg2[%swap3A, %swap3A_16], %mul3A {strides = array<i32>} : memref<1264x128xf32, #tpu.memory_space<vmem>>, vector<1264x128xf32>,
    return
  }
}

module attributes {stable_mosaic.version = 14 : i64} {
  func.func @body(%arg0: memref<2x1264x128xf32, #tpu.memory_space<vmem>>, %arg1: memref<2x2x1264x128xf32, #tpu.memory_space<vmem>>, %arg2: memref<128x24xf32, #tpu.memory_space<vmem>>, %arg3: memref<1x24xf32, #tpu.memory_space<vmem>>, %arg4: memref<1250x24xf32, #tpu.memory_space<vmem>>) attributes {dimension_semantics = [], scalar_prefetch = 0 : i64, scratch_operands = 0 : i64, tpu.core_type = #tpu.core_type<tc>} {
    %get3A = arith.constant 0 : index
    %get3A_0 = arith.constant 0 : index
    %get3A_1 = arith.constant 0 : index
    %get3A_2 = vector.load %arg0[%get3A, %get3A_0, %get3A_1] : memref<2x1264x128xf32, #tpu.memory_space<vmem>>, vector<1x1250x128xf32>
    %get3A_3 = vector.shape_cast %get3A_2 : vector<1x1250x128xf32> to vector<1250x128xf32>
    %get3A_4 = arith.constant 1 : index
    %get3A_5 = arith.constant 0 : index
    %get3A_6 = arith.constant 0 : index
    %get3A_7 = vector.load %arg0[%get3A_4, %get3A_5, %get3A_6] : memref<2x1264x128xf32, #tpu.memory_space<vmem>>, vector<1x1250x128xf32>
    %get3A_8 = vector.shape_cast %get3A_7 : vector<1x1250x128xf32> to vector<1250x128xf32>
    %add3A = arith.addf %get3A_3, %get3A_8 : vector<1250x128xf32>
    %get3A_9 = arith.constant 0 : index
    %get3A_10 = arith.constant 1 : index
    %get3A_11 = arith.constant 0 : index
    %get3A_12 = arith.constant 0 : index
    %get3A_13 = vector.load %arg1[%get3A_9, %get3A_10, %get3A_11, %get3A_12] : memref<2x2x1264x128xf32, #tpu.memory_space<vmem>>, vector<1x1x1250x128xf32>
    %get3A_14 = vector.shape_cast %get3A_13 : vector<1x1x1250x128xf32> to vector<1250x128xf32>
    %get3A_15 = arith.constant 1 : index
    %get3A_16 = arith.constant 1 : index
    %get3A_17 = arith.constant 0 : index
    %get3A_18 = arith.constant 0 : index
    %get3A_19 = vector.load %arg1[%get3A_15, %get3A_16, %get3A_17, %get3A_18] : memref<2x2x1264x128xf32, #tpu.memory_space<vmem>>, vector<1x1x1250x128xf32>
    %get3A_20 = vector.shape_cast %get3A_19 : vector<1x1x1250x128xf32> to vector<1250x128xf32>
    %add3A_21 = arith.addf %get3A_14, %get3A_20 : vector<1250x128xf32>
    %max3A = arith.constant 1.000000e+00 : f32
    %max3A_22 = vector.broadcast %max3A : f32 to vector<1250x128xf32>
    %max3A_23 = arith.maximumf %add3A_21, %max3A_22 : vector<1250x128xf32>
    %rsqrt3A = math.rsqrt %max3A_23 : vector<1250x128xf32>
    %mul3A = arith.mulf %add3A, %rsqrt3A : vector<1250x128xf32>
    %get3A_24 = arith.constant 0 : index
    %get3A_25 = arith.constant 0 : index
    %get3A_26 = vector.load %arg2[%get3A_24, %get3A_25] : memref<128x24xf32, #tpu.memory_space<vmem>>, vector<128x24xf32>
    %dot_general3A = arith.constant dense<0.000000e+00> : vector<1250x24xf32>
    %dot_general3A_27 = tpu.matmul %mul3A, %get3A_26, %dot_general3A {dimension_numbers = #tpu.dot_dimension_numbers<[1], [0], [0], [1], [0, 0, 1, 1], [], []>, transpose_lhs_hint = false} : vector<1250x128xf32>, vector<128x24xf32>, vector<1250x24xf32> -> vector<1250x24xf32>
    %get3A_28 = arith.constant 0 : index
    %get3A_29 = arith.constant 0 : index
    %get3A_30 = vector.load %arg3[%get3A_28, %get3A_29] : memref<1x24xf32, #tpu.memory_space<vmem>>, vector<1x24xf32>
    %add3A_31 = vector.broadcast %get3A_30 : vector<1x24xf32> to vector<1250x24xf32>
    %add3A_32 = arith.addf %dot_general3A_27, %add3A_31 : vector<1250x24xf32>
    %swap3A = arith.constant 0 : index
    %swap3A_33 = arith.constant 0 : index
    %swap3A_34 = vector.load %arg4[%swap3A, %swap3A_33] : memref<1250x24xf32, #tpu.memory_space<vmem>>, vector<1250x24xf32>
    tpu.vector_store %arg4[%swap3A, %swap3A_33], %add3A_32 {strides = array<i32>} : memref<1250x24xf32, #tpu.memory_space<vmem>>, vector<1250x24xf32>,
    return
  }
}

</mosaic_0001>

<sc_bundles>
// kernel: kernel.10.cloned.1.call-start
scs
__scs_entry_jumppad:
0x0: {  	(pc) =	sbr.rel $0x88, $3  }
0x1: {  	(tag) =	ssettag $0x0;
	lr =	simm.s32 $0x1  }
0x2: {  	[smem:$0x3F9B] =	sst lr;
	_ =	strace $0xD0000000  }
0x3: {  	_ = 	snop  }
0x4: {  	_ = 	snop  }
0x5: {  	_ = 	snop  }
0x6: {  	_ = 	snop  }
0x7: {  	_ = 	snop  }
__scs_overlays_trampoline_lowered:
0x8: {  	[smem:$0x3FAA] =	sst s0  }
0x9: {  	[smem:$0x3FAB] =	sst s1  }
0xa: {  	[smem:$0x3FAC] =	sst s2  }
0xb: {  	[smem:$0x3FAD] =	sst s3  }
0xc: {  	[smem:$0x3FAE] =	sst s4  }
0xd: {  	[smem:$0x3FAF] =	sst s5  }
0xe: {  	[smem:$0x3FB0] =	sst s6  }
0xf: {  	[smem:$0x3FB1] =	sst s7  }
0x10: {  	[smem:$0x3FB2] =	sst s8  }
0x11: {  	[smem:$0x3FB3] =	sst s9;
	s0 =	simm.s32 @!p0 $0x0  }
0x12: {  	s1 =	sld [smem:$0x3F99];
	s0 =	simm.s32 @p0 $0x1  }
0x13: {  	[smem:$0x3FB4] =	sst s0;
	s0 =	simm.s32 @!p1 $0x0  }
0x14: {  	s2 =	sld [smem:$0x3F98];
	s0 =	simm.s32 @p1 $0x1  }
0x15: {  	[smem:$0x3FB5] =	sst s0;
	s0 =	simm.s32 @!p2 $0x0  }
0x16: {  	s3 =	sld [smem:$0x3FDB];
	s0 =	simm.s32 @p2 $0x1  }
0x17: {  	s4 =	simm.s32 $0x1BF5;
	[smem:$0x3FB7] =	sst s0  }
0x18: {  	s0 =	sld [smem:$0x3F9A];
	_ =	swait.ge [sflag:s4], $0x0  }
0x19: {  	s7 =	sld [smem:$0x3F9B]  }
0x1a: {  	s8 =	sadd.s32 $0xFFFFE003, lr  }
0x1b: {  	s9 =	sadd.s32 $0xFFFFFEF7, lr;
	s5 =	simm.s32 $0xFFFFFFFF;
	p2 =	slt.u32 s8, $0xFFFFF086  }
0x1c: {  	p1 =	slt.u32 s9, $0xF7A;
	s5 =	simm.s32 @!p2 $0x0  }
0x1d: {  	s5 =	simm.s32 @p1 $0x1;
	p0 =	seq.s32 s7, s2  }
0x1e: {  	s7 =	smul.u32 @!p0 $0xF7A, s2;
	p2 =	seq.s32 @!p0 s5, $0x0  }
0x1f: {  	s9 =	smul.u32 $0xF7A, s1;
	s8 =	simm.s32 @!p0 $0x1BF5;
	p2 =	por !p2, p0  }
0x20: {  	[sflag:s8] =	ssyncset.s32 @!p0 $0xFFFFF086;
	s6 =	sadd.s32 @!p0 s3, s7;
	s7 =	simm.s32 @!p0 $0x108  }
0x21: {  	s3 =	sadd.s32 s3, s9;
	s6 =	sadd.s32 @!p0 $0x88, s6;
	s7 =	simm.s32 @p2 $0x1082  }
0x22: {  	[simem:s7], [sflag:s8] =	dma.local @!p0 [hbm:s6], $0xF7A  }
0x23: {  	s9 =	sor.u32 $0xD0000000, s2;
	s6 =	simm.s32 $0x108;
	_ =	swait.ge @!p0 [sflag:s8], $0x0  }
0x24: {  	s3 =	sadd.s32 $0x88, s3;
	s6 =	simm.s32 @!p1 $0x1082;
	[sflag:s4] =	ssyncset.s32 $0xFFFFF086  }
0x25: {  	[simem:s6], [sflag:s4] =	dma.local [hbm:s3], $0xF7A  }
0x26: {  	[smem:$0x3F9B] =	sst s1;
	(tag) =	ssettag s2;
	_ =	strace s9  }
0x27: {  	s1 =	sld [smem:$0x3FAB]  }
0x28: {  	s2 =	sld [smem:$0x3FAC]  }
0x29: {  	s4 =	sld [smem:$0x3FAE]  }
0x2a: {  	p0 =	seq.s32 s5, $0x0;
	s5 =	sld [smem:$0x3FAF]  }
0x2b: {  	s6 =	sld [smem:$0x3FB0]  }
0x2c: {  	s7 =	sld [smem:$0x3FB1]  }
0x2d: {  	s3 =	simm.s32 $0x108;
	s8 =	sld [smem:$0x3FB2]  }
0x2e: {  	s3 =	simm.s32 @!p0 $0x1082;
	s9 =	sld [smem:$0x3FB3]  }
0x2f: {  	lr =	sadd.s32 s0, s3;
	s0 =	sld [smem:$0x3FAA]  }
0x30: {  	s3 =	sld [smem:$0x3FAD]  }
0x31: {  	[smem:$0x3FB6] =	sst s10  }
0x32: {  	s10 =	sld [smem:$0x3FB4];
	_ =	sdelay $0x3  }
0x33: {  	p0 =	seq.s32 s10, $0x1;
	s10 =	sld [smem:$0x3FB6];
	_ =	sdelay $0x3  }
0x34: {  	[smem:$0x3FB6] =	sst s10  }
0x35: {  	s10 =	sld [smem:$0x3FB5];
	_ =	sdelay $0x3  }
0x36: {  	p1 =	seq.s32 s10, $0x1;
	s10 =	sld [smem:$0x3FB6];
	_ =	sdelay $0x3  }
0x37: {  	[smem:$0x3FB6] =	sst s10  }
0x38: {  	s10 =	sld [smem:$0x3FB7]  }
0x39: {  	_ = 	snop;
	(pc) =	sbr.ind lr, $3  }
0x3a: {  	_ = 	snop  }
0x3b: {  	_ = 	snop  }
0x3c: {  	p2 =	seq.s32 s10, $0x1;
	s10 =	sld [smem:$0x3FB6]  }
0x3d: {  	_ =	shalt  }
0x3e: {  	_ =	shalt  }
0x3f: {  	_ =	shalt  }
0x40: {  	_ =	shalt  }
0x41: {  	_ =	shalt  }
0x42: {  	_ =	shalt  }
0x43: {  	_ =	shalt  }
0x44: {  	_ =	shalt  }
0x45: {  	_ =	shalt  }
0x46: {  	_ =	shalt  }
0x47: {  	_ =	shalt  }
0x48: {  	_ =	shalt  }
0x49: {  	_ =	shalt  }
0x4a: {  	_ =	shalt  }
0x4b: {  	_ =	shalt  }
0x4c: {  	_ =	shalt  }
0x4d: {  	_ =	shalt  }
0x4e: {  	_ =	shalt  }
0x4f: {  	_ =	shalt  }
0x50: {  	_ =	shalt  }
0x51: {  	_ =	shalt  }
0x52: {  	_ =	shalt  }
0x53: {  	_ =	shalt  }
0x54: {  	_ =	shalt  }
0x55: {  	_ =	shalt  }
0x56: {  	_ =	shalt  }
0x57: {  	_ =	shalt  }
0x58: {  	_ =	shalt  }
0x59: {  	_ =	shalt  }
0x5a: {  	_ =	shalt  }
0x5b: {  	_ =	shalt  }
0x5c: {  	_ =	shalt  }
0x5d: {  	_ =	shalt  }
0x5e: {  	_ =	shalt  }
0x5f: {  	_ =	shalt  }
0x60: {  	_ =	shalt  }
0x61: {  	_ =	shalt  }
0x62: {  	_ =	shalt  }
0x63: {  	_ =	shalt  }
0x64: {  	_ =	shalt  }
0x65: {  	_ =	shalt  }
0x66: {  	_ =	shalt  }
0x67: {  	_ =	shalt  }
0x68: {  	_ =	shalt  }
0x69: {  	_ =	shalt  }
0x6a: {  	_ =	shalt  }
0x6b: {  	_ =	shalt  }
0x6c: {  	_ =	shalt  }
0x6d: {  	_ =	shalt  }
0x6e: {  	_ =	shalt  }
0x6f: {  	_ =	shalt  }
0x70: {  	_ =	shalt  }
0x71: {  	_ =	shalt  }
0x72: {  	_ =	shalt  }
0x73: {  	_ =	shalt  }
0x74: {  	_ =	shalt  }
0x75: {  	_ =	shalt  }
0x76: {  	_ =	shalt  }
0x77: {  	_ =	shalt  }
0x78: {  	_ =	shalt  }
0x79: {  	_ =	shalt  }
0x7a: {  	_ =	shalt  }
0x7b: {  	_ =	shalt  }
0x7c: {  	_ =	shalt  }
0x7d: {  	_ =	shalt  }
0x7e: {  	_ =	shalt  }
0x7f: {  	_ =	shalt  }
0x80: {  	_ =	shalt  }
0x81: {  	_ =	shalt  }
0x82: {  	_ =	shalt  }
0x83: {  	_ =	shalt  }
0x84: {  	_ =	shalt  }
0x85: {  	_ =	shalt  }
0x86: {  	_ =	shalt  }
0x87: {  	_ =	shalt  }
.Lfunc_end0:
.L_simem_size_0:
called_computation_lowered:
.L_overlay_start_0:
0x88: {  	s2 =	sld [smem:$0x3FD9]  }
0x89: {  	s3 =	sld [smem:$0x3FFE];
	_ =	sdelay $0x1  }
0x8a: {  	s1 =	srdreg.scid  }
0x8b: {  	s0 =	sand.u32 $0x1, s1  }
0x8c: {  	s16 =	sshll.u32 s0, $0xA;
	s2 =	sadd.s32 s3, s2  }
0x8d: {  	s2 =	sadd.s32 s2, s16  }
0x8e: {  	[smem:$0x3FC2] =	sst s2  }
0x8f: {  	_ = 	snop  }
0x90: {  	(tm) =	ssettm $0x1  }
0x91: {  	s17 =	sld [smem:$0x3FFB];
	_ =	sdelay $0x3  }
0x92: {  	_ =	strace s17  }
0x93: {  	s2 =	sld [smem:$0x3FFC];
	_ =	sdelay $0x3  }
0x94: {  	_ =	strace s2  }
0x95: {  	s2 =	sld [smem:$0x3FFD];
	_ =	sdelay $0x3  }
0x96: {  	_ =	strace s2  }
0x97: {  	_ =	strace $0x8FFFFFFF  }
0x98: {  	s18 =	sld [smem:$0x3FDB];
	_ =	sdelay $0x1  }
0x99: {  	s19 =	simm.s32 $_scs_section_size  }
0x9a: {  	s4 =	simm.s32 $_size__tile_overlayer_lowered;
	s5 =	simm.s32 $_tile_overlayer_lowered  }
0x9b: {  	s22 =	simm.s32 $0x1BFF;
	s21 =	sshll.u32 s5, $0x1;
	s2 =	sadd.s32 s19, s18  }
0x9c: {  	s6 =	simm.s32 $0x0;
	s20 =	sshll.u32 s4, $0x1;
	s4 =	sadd.s32 s21, s2  }
0x9d: {  	[timem:s6], [sflag:s22] =	dma.local [hbm:s4], s20  }
0x9e: {  	_ =	swait.ge [sflag:s22], s20  }
0x9f: {  	s3 =	ssub.s32 $0x0, s20;
	[sflag:s22] =	ssyncset.done $0x0  }
0xa0: {  	[sflag:s22] =	ssyncadd.s32 s3;
	_ =	sdelay $0x1  }
0xa1: {  	s23 =	simm.s32 $0x1B8B  }
0xa2: {  	_ =	swait.ge [sflag:s23], $0x1  }
0xa3: {  	[sflag:s23] =	ssyncset.done $0x0  }
0xa4: {  	s25 =	simm.s32 $0x1B8E;
	s24 =	sld [smem:$0x3FFE];
	[sflag:s23] =	ssyncadd.s32 $0xFFFFFFFF  }
0xa5: {  	s26 =	simm.s32 $execute0_lowered;
	[smem:$0x3FD2] =	sst s25  }
0xa6: {  	s4 =	sshll.u32 s26, $0x1;
	_ =	strace $0x80000046;
	[dreg:$0x1] =	wrdreg $0xFFFFFFFF  }
0xa7: {  	s28 =	simm.s32 $_size_execute0_lowered;
	s2 =	sadd.s32 s2, s4;
	[dreg:$0x0] =	wrdreg $0x0  }
0xa8: {  	s4 =	sshll.u32 s28, $0x1;
	[dreg:$0x2] =	wrdreg s2  }
0xa9: {  	[dreg:$0x3] =	wrdreg s4  }
0xaa: {  	[dreg:$0x4] =	wrdreg $0xC0  }
0xab: {  	_ =	task [dreg:s6], $0x5FFFF  }
0xac: {  	[dreg:$0x1] =	wrdreg $0xFFFFFFFF  }
0xad: {  	[dreg:$0x0] =	wrdreg $0x60  }
0xae: {  	[dreg:$0x2] =	wrdreg s24  }
0xaf: {  	[dreg:$0x3] =	wrdreg $0x54080  }
0xb0: {  	[dreg:$0x4] =	wrdreg $0x56800  }
0xb1: {  	[dreg:$0x5] =	wrdreg $0x9  }
0xb2: {  	_ =	task.clear_ibuf [dreg:s6], $0x6FFFF;
	_ =	strace $0x90000046  }
0xb3: {  	s29 =	simm.s32 $0x9;
	_ =	strace $0x80000048  }
0xb4: {  	_ =	swait.ge [sflag:s29], $0x1  }
0xb5: {  	[sflag:s29] =	ssyncadd.s32 $0xFFFFFFFF  }
0xb6: {  	_ =	strace $0x90000048  }
0xb7: {  	_ =	sfence  }
0xb8: {  	s30 =	sld [smem:$0x0];
	_ =	sdelay $0x2  }
0xb9: {  	s31 =	sshll.u32 s1, $0xD;
	s1 =	sshrl.u32 s1, $0x2  }
0xba: {  	s3 =	sand.u32 $0x4000, s31;
	s1 =	sadd.s32 s1, s30  }
0xbb: {  	s0 =	sor.u32 s3, s0;
	s1 =	sshll.u32 s1, $0x11  }
0xbc: {  	s0 =	sor.u32 s1, s0  }
0xbd: {  	s0 =	sadd.s32 $0x8F2B, s0  }
0xbe: {  	[sflag:s0] =	ssyncadd.remote.s32 $0x1  }
0xbf: {  	_ =	sfence.sel $0xFFFF  }
0xc0: {  	[dreg:$0x0] =	wrdreg $0xFFFFFFFF;
	(pc) =	sbr.abs _section_cstart, $3  }
0xc1: {  	[dreg:$0x1] =	wrdreg $0xFFFFFFFF  }
0xc2: {  	_ =	task.clear_ibuf [dreg:s6], $0x2FFFF;
	_ =	strace $0x9FFFFFFF  }
0xc3: {  	(tm) =	ssettm $0x7FFFFFFF  }
tec
execute0_lowered:
.L_overlay_start_1:
0x0: {  	(tag) =	ssettag $0x1  }
0x1: {  	s1 =	srdreg.scid;
	s5 =	rddreg [dreg:$0x0]  }
0x2: {  	s0 =	stileid.u32;
	s2 =	rddreg [dreg:$0x1]  }
0x3: {  	s3 =	rddreg [dreg:$0x2];
	s4 =	simm.s32 $0x0;
	s13 =	simm.s32 $0x2  }
0x4: {  	s14 =	simm.s32 $0x1388;
	s15 =	simm.s32 $0x80;
	s16 =	simm.s32 $0x2710  }
0x5: {  	s17 =	simm.s32 $0x8;
	s18 =	simm.s32 $0x1380;
	s19 =	simm.s32 $0x2708  }
0x6: {  	s20 =	simm.s32 $0x1;
	s21 =	simm.s32 $0x2790;
	s22 =	simm.s32 $0x2A08  }
0x7: {  	s23 =	simm.s32 $0x0;
	s6 =	sand.u32 $0x1, s1;
	s8 =	smul.u32 $0x2780, s0  }
0x8: {  	s28 =	sshll.u32 s0, $0x1;
	[smem:$0x7FF] =	sst s4;
	s29 =	smul.u32 $0x278, s0  }
0x9: {  	s1 =	sor.u32 s6, s28;
	s9 =	smul.u32 $0x4F000, s6;
	s6 =	ssub.s32 $0x2, s6  }
0xa: {  	s7 =	smul.u32 $0x1388, s1;
	s1 =	rddreg [dreg:$0x3];
	s31 =	sshrl.u32 s6, $0x1  }
0xb: {  	_ =	strace $0x80000047;
	s8 =	sadd.s32 s8, s9;
	s12 =	ssub.s32 s6, s31  }
0xc: {  	s6 =	sadd.s32 s29, s3;
	s7 =	sshrl.u32 s7, $0x3;
	s30 =	sshrl.u32 s8, $0x3  }
0xd: {  	s10 =	sadd.s32 s7, s5;
	s11 =	sadd.s32 s30, s5;
	s5 =	sadd.s32 s29, s2  }
0xe: {  	s7 =	sadd.s32 $0x2200, s10;
	s8 =	sadd.s32 $0x7020, s10;
	s9 =	sadd.s32 $0xC000, s11  }
0xf: {  	v0 =	vimm.f32 $0.0e+00;
	v1 =	vimm.f32 $1.000000000e+00;
	s10 =	sadd.s32 $0x10F00, s11;
	s11 =	smax.u32 s12, $0x1;
	s12 =	simm.s32 $0x5188  }
.LBB2_1:
0x10: {  	[tilespmem:$0x5188] =	vst v0  }
0x11: {  	[tilespmem:$0x5198] =	vst v0  }
0x12: {  	[tilespmem:$0x51A8] =	vst v0  }
0x13: {  	[tilespmem:$0x51B8] =	vst v0  }
0x14: {  	[tilespmem:$0x51C8] =	vst v0  }
0x15: {  	[tilespmem:$0x51D8] =	vst v0  }
0x16: {  	[tilespmem:$0x51E8] =	vst v0  }
0x17: {  	[tilespmem:$0x51F8] =	vst v0  }
0x18: {  	[tilespmem:$0x5208] =	vst v0  }
0x19: {  	[tilespmem:$0x5218] =	vst v0  }
0x1a: {  	[tilespmem:$0x5228] =	vst v0  }
0x1b: {  	[tilespmem:$0x5238] =	vst v0  }
0x1c: {  	[tilespmem:$0x5248] =	vst v0  }
0x1d: {  	[tilespmem:$0x5258] =	vst v0  }
0x1e: {  	[tilespmem:$0x5268] =	vst v0  }
0x1f: {  	[tilespmem:$0x5278] =	vst v0  }
0x20: {  	[tilespmem:$0x5288] =	vst v0  }
0x21: {  	[tilespmem:$0x5298] =	vst v0  }
0x22: {  	[tilespmem:$0x52A8] =	vst v0  }
0x23: {  	[tilespmem:$0x52B8] =	vst v0  }
0x24: {  	[tilespmem:$0x52C8] =	vst v0  }
0x25: {  	[tilespmem:$0x52D8] =	vst v0  }
0x26: {  	[tilespmem:$0x52E8] =	vst v0  }
0x27: {  	[tilespmem:$0x52F8] =	vst v0  }
0x28: {  	[tilespmem:$0x5308] =	vst v0  }
0x29: {  	[tilespmem:$0x5318] =	vst v0  }
0x2a: {  	[tilespmem:$0x5328] =	vst v0  }
0x2b: {  	[tilespmem:$0x5338] =	vst v0  }
0x2c: {  	[tilespmem:$0x5348] =	vst v0  }
0x2d: {  	[tilespmem:$0x5358] =	vst v0  }
0x2e: {  	[tilespmem:$0x5368] =	vst v0  }
0x2f: {  	[tilespmem:$0x5378] =	vst v0  }
0x30: {  	[tilespmem:$0x5388] =	vst v0  }
0x31: {  	[tilespmem:$0x5398] =	vst v0  }
0x32: {  	[tilespmem:$0x53A8] =	vst v0  }
0x33: {  	[tilespmem:$0x53B8] =	vst v0  }
0x34: {  	[tilespmem:$0x53C8] =	vst v0  }
0x35: {  	[tilespmem:$0x53D8] =	vst v0  }
0x36: {  	[tilespmem:$0x53E8] =	vst v0  }
0x37: {  	[tilespmem:$0x53F8] =	vst v0  }
0x38: {  	[tilespmem:$0x2710] =	vst v1  }
0x39: {  	[tilespmem:$0x2720] =	vst v1  }
0x3a: {  	[tilespmem:$0x2730] =	vst v1  }
0x3b: {  	[tilespmem:$0x2740] =	vst v1  }
0x3c: {  	[tilespmem:$0x2750] =	vst v1  }
0x3d: {  	[tilespmem:$0x2760] =	vst v1  }
0x3e: {  	[tilespmem:$0x2770] =	vst v1  }
0x3f: {  	[tilespmem:$0x2780] =	vst v1  }
0x40: {  	[spmem:s5] =	stream.linear.scatter [tilespmem:s12], [sflag:$0x2], $0x278, $0x38;
	[tilespmem:$0x58F8] =	vst v63  }
0x41: {  	_ =	swait.ge [sflag:s13], $0x278  }
0x42: {  	[sflag:s13] =	ssyncset.done $0x0  }
0x43: {  	[sflag:s13] =	ssyncadd.s32 $0xFFFFFD88  }
0x44: {  	[spmem:s6] =	stream.linear.scatter [tilespmem:s12], [sflag:$0x2], $0x278, $0x38;
	[tilespmem:$0x58F8] =	vst v63  }
0x45: {  	_ =	swait.ge [sflag:s13], $0x278  }
0x46: {  	[sflag:s13] =	ssyncset.done $0x0  }
0x47: {  	[sflag:s13] =	ssyncadd.s32 $0xFFFFFD88  }
0x48: {  	[tilespmem:s4], [sflag:$0x2] =	stream.linear.gather [hbm4b:s7+s4], $0x1388, $0x38;
	[tilespmem:$0x58F8] =	vst v63  }
0x49: {  	_ =	swait.ge [sflag:s13], $0x1388  }
0x4a: {  	[sflag:s13] =	ssyncset.done $0x0  }
0x4b: {  	[sflag:s13] =	ssyncadd.s32 $0xFFFFEC78  }
0x4c: {  	[tilespmem:s14], [sflag:$0x2] =	stream.linear.gather [hbm4b:s8+s4], $0x1388, $0x38;
	[tilespmem:$0x58F8] =	vst v63  }
0x4d: {  	_ =	swait.ge [sflag:s13], $0x1388  }
0x4e: {  	[sflag:s13] =	ssyncset.done $0x0  }
0x4f: {  	[sflag:s13] =	ssyncadd.s32 $0xFFFFEC78  }
0x50: {  	s24 =	simm.s32 $0x0;
	[bflag:$0x0] =	sbarrier.arrive $0xFFFF  }
0x51: {  	[spmem:s2] =	stream.indirect.scatter.add.f32 [tilespmem:s16], [sflag:$0x1], $0x1, s24, s15, $0xb8;
	[tilespmem:$0x58F8] =	vst v63  }
0x52: {  	s25 =	simm.s32 $0x1388;
	s24 =	simm.s32 $0x200  }
.LBB2_2:
0x53: {  	[spmem:s3] =	stream.indirect.scatter.add.f32 [tilespmem:s16], [sflag:$0x1], $0x1, s25, s15, $0xb8;
	[tilespmem:$0x58F8] =	vst v63  }
0x54: {  	s25 =	smov.u32 s24;
	p0 =	sne.s32 s24, $0x4C00  }
.Ltmp0:
0x55: {  	s24 =	sadd.s32 $0x200, s24;
	(pc) =	sbr.rel @p0 .LBB2_2-.Ltmp0, $4  }
0x56: {  	_ = 	snop  }
0x57: {  	s25 =	sshra.s32 s25, $0x2  }
0x58: {  	[spmem:s2] =	stream.indirect.scatter.add.f32 [tilespmem:s16], [sflag:$0x1], $0x1, s25, s15, $0xb8;
	[tilespmem:$0x58F8] =	vst v63  }
0x59: {  	s25 =	sadd.s32 $0x1388, s25  }
0x5a: {  	[spmem:s3] =	stream.indirect.scatter.add.f32 [tilespmem:s16], [sflag:$0x1], $0x1, s25, s15, $0xb8;
	[tilespmem:$0x58F8] =	vst v63  }
0x5b: {  	_ = 	snop  }
0x5c: {  	[spmem:s2] =	stream.indirect.scatter.add.f32 [tilespmem:s16], [sflag:$0x1], $0x1, s18, s17, $0xb8;
	[tilespmem:$0x58F8] =	vst v63  }
0x5d: {  	_ = 	snop  }
0x5e: {  	[spmem:s3] =	stream.indirect.scatter.add.f32 [tilespmem:s16], [sflag:$0x1], $0x1, s19, s17, $0xb8;
	[tilespmem:$0x58F8] =	vst v63  }
0x5f: {  	_ =	swait.ge [sflag:s20], $0x80  }
0x60: {  	[sflag:s20] =	ssyncset.done $0x0  }
0x61: {  	[sflag:s20] =	ssyncadd.s32 $0xFFFFFF80  }
0x62: {  	_ =	swait.ge [sflag:s20], $0x80  }
0x63: {  	s24 =	simm.s32 $0x26;
	[sflag:s20] =	ssyncset.done $0x0  }
.LBB2_4:
0x64: {  	p0 =	sne.s32 s24, $0x1;
	s24 =	sadd.s32 $0xFFFFFFFF, s24;
	[sflag:s20] =	ssyncadd.s32 $0xFFFFFF80  }
.Ltmp1:
0x65: {  	_ =	swait.ge [sflag:s20], $0x80;
	(pc) =	sbr.rel @p0 .LBB2_4-.Ltmp1, $4  }
0x66: {  	[sflag:s20] =	ssyncset.done $0x0  }
0x67: {  	[sflag:s20] =	ssyncadd.s32 $0xFFFFFF80  }
0x68: {  	_ =	swait.ge [sflag:s20], $0x80  }
0x69: {  	[sflag:s20] =	ssyncset.done $0x0  }
0x6a: {  	[sflag:s20] =	ssyncadd.s32 $0xFFFFFF80  }
0x6b: {  	_ =	swait.ge [sflag:s20], $0x8  }
0x6c: {  	[sflag:s20] =	ssyncset.done $0x0  }
0x6d: {  	[sflag:s20] =	ssyncadd.s32 $0xFFFFFFF8  }
0x6e: {  	_ =	swait.ge [sflag:s20], $0x8  }
0x6f: {  	[sflag:s20] =	ssyncset.done $0x0  }
0x70: {  	s24 =	simm.s32 $0x0;
	[sflag:s20] =	ssyncadd.s32 $0xFFFFFFF8  }
0x71: {  	v2 =	vmov s24;
	[bflag:$0x0] =	sbarrier.arrive $0xFFFF  }
0x72: {  	[tilespmem:s21], [sflag:$0x2] =	stream.linear.gather [spmem:s5], $0x278, $0x38;
	[tilespmem:$0x58F8] =	vst v63  }
0x73: {  	_ =	swait.ge [sflag:s13], $0x278  }
0x74: {  	[sflag:s13] =	ssyncset.done $0x0  }
0x75: {  	[sflag:s13] =	ssyncadd.s32 $0xFFFFFD88  }
0x76: {  	s31 =	simm.s32 $0x1;
	v2 =	vld.idx.msk [tilespmem:v2+s21+$0x0], $0xffff  }
0x77: {  	v3 =	vmov s31;
	_ =	sdelay $0x2  }
0x78: {  	s24 =	simm.s32 $0x2A08  }
0x79: {  	[tilespmem:s24+$0x0] =	vst v2  }
0x7a: {  	s25 =	simm.s32 $0x2;
	v2 =	vld.idx.msk [tilespmem:v3+s21+$0x0], $0xffff  }
0x7b: {  	v3 =	vmov s25;
	s25 =	simm.s32 $0x3  }
.LBB2_6:
0x7c: {  	p0 =	sne.s32 s25, $0x277;
	_ =	sdelay $0x1  }
.Ltmp2:
0x7d: {  	s24 =	sadd.s32 $0x10, s24;
	(pc) =	sbr.rel @p0 .LBB2_6-.Ltmp2, $3  }
0x7e: {  	[tilespmem:s24+$0x0] =	vst v2  }
0x7f: {  	v2 =	vld.idx.msk [tilespmem:v3+s21+$0x0], $0xffff;
	_ =	sdelay $0x1  }
0x80: {  	v3 =	vmov s25;
	s25 =	sadd.s32 $0x1, s25  }
0x81: {  	_ =	sdelay $0x1  }
0x82: {  	s24 =	sadd.s32 $0x10, s24  }
0x83: {  	[tilespmem:s24+$0x0] =	vst v2  }
0x84: {  	v2 =	vld.idx.msk [tilespmem:v3+s21+$0x0], $0xffff;
	_ =	sdelay $0x3  }
0x85: {  	s24 =	sadd.s32 $0x10, s24  }
0x86: {  	s25 =	simm.s32 $0x0;
	[tilespmem:s24+$0x0] =	vst v2;
	s24 =	simm.s32 $0x2A08  }
0x87: {  	[hbm4b:s9+s25] =	stream.linear.scatter [tilespmem:s24], [sflag:$0x2], $0x2780, $0x38;
	[tilespmem:$0x58F8] =	vst v63  }
0x88: {  	_ =	swait.ge [sflag:s13], $0x2780  }
0x89: {  	[sflag:s13] =	ssyncset.done $0x0  }
0x8a: {  	v2 =	vmov s25;
	[sflag:s13] =	ssyncadd.s32 $0xFFFFD880  }
0x8b: {  	[tilespmem:s21], [sflag:$0x2] =	stream.linear.gather [spmem:s6], $0x278, $0x38;
	[tilespmem:$0x58F8] =	vst v63  }
0x8c: {  	_ =	swait.ge [sflag:s13], $0x278  }
0x8d: {  	[sflag:s13] =	ssyncset.done $0x0  }
0x8e: {  	[sflag:s13] =	ssyncadd.s32 $0xFFFFFD88  }
0x8f: {  	s30 =	simm.s32 $0x1;
	v2 =	vld.idx.msk [tilespmem:v2+s21+$0x0], $0xffff  }
0x90: {  	v3 =	vmov s30;
	_ =	sdelay $0x3  }
0x91: {  	[tilespmem:s24+$0x0] =	vst v2  }
0x92: {  	s31 =	simm.s32 $0x2;
	v2 =	vld.idx.msk [tilespmem:v3+s21+$0x0], $0xffff  }
0x93: {  	s25 =	simm.s32 $0x3;
	v3 =	vmov s31  }
.LBB2_8:
0x94: {  	p0 =	sne.s32 s25, $0x277;
	_ =	sdelay $0x1  }
.Ltmp3:
0x95: {  	s24 =	sadd.s32 $0x10, s24;
	(pc) =	sbr.rel @p0 .LBB2_8-.Ltmp3, $3  }
0x96: {  	[tilespmem:s24+$0x0] =	vst v2  }
0x97: {  	v2 =	vld.idx.msk [tilespmem:v3+s21+$0x0], $0xffff;
	_ =	sdelay $0x1  }
0x98: {  	v3 =	vmov s25;
	s25 =	sadd.s32 $0x1, s25  }
0x99: {  	_ =	sdelay $0x1  }
0x9a: {  	s24 =	sadd.s32 $0x10, s24  }
0x9b: {  	[tilespmem:s24+$0x0] =	vst v2  }
0x9c: {  	v2 =	vld.idx.msk [tilespmem:v3+s21+$0x0], $0xffff;
	_ =	sdelay $0x2  }
0x9d: {  	s23 =	sadd.s32 $0x1, s23  }
0x9e: {  	p0 =	sne.s32 s23, s11;
	s24 =	sadd.s32 $0x10, s24  }
.Ltmp4:
0x9f: {  	[tilespmem:s24+$0x0] =	vst v2;
	(pc) =	sbr.rel @p0 .LBB2_1-.Ltmp4, $4  }
0xa0: {  	[hbm4b:s10+s4] =	stream.linear.scatter [tilespmem:s22], [sflag:$0x2], $0x2780, $0x38;
	[tilespmem:$0x58F8] =	vst v63  }
0xa1: {  	_ =	swait.ge [sflag:s13], $0x2780  }
0xa2: {  	[sflag:s13] =	ssyncset.done $0x0  }
0xa3: {  	[sflag:s13] =	ssyncadd.s32 $0xFFFFD880  }
0xa4: {  	_ =	sfence.sel $0x180000  }
0xa5: {  	[bflag:$0x0] =	sbarrier.arrive $0xFFFF  }
0xa6: {  	p0 =	sne.s32 s0, $0x0;
	_ =	strace $0x90000047  }
0xa7: {  	s0 =	sadd.s32 @!p0 $0x100000, s1;
	[bflag:$0x2] =	sbarrier.arrive $0xFFFF  }
0xa8: {  	[sflag:s0] =	ssyncadd.tile.s32 @!p0 $0x1;
	_ =	shalt  }
.Lfunc_end2:
_tile_overlayer_lowered:
.L_overlay_start_2:
0xa9: {  	(tag) =	ssettag $0x2  }
0xaa: {  	s0 =	rddreg [dreg:$0x0];
	s2 =	stileid.u32  }
0xab: {  	s1 =	rddreg [dreg:$0x1];
	p0 =	sne.s32 s2, $0x0  }
0xac: {  	s3 =	rddreg [dreg:$0x2];
	[bflag:$0x3] =	sbarrier.arrive $0xFFFF;
	s2 =	simm.s32 @!p0 $0x1C02  }
0xad: {  	[timem:s3], [sflag:s2] =	dma.local @!p0 [hbm:s0], s1  }
0xae: {  	s0 =	simm.s32 @!p0 $0x2  }
0xaf: {  	_ =	swait.ge @!p0 [sflag:s0], s1  }
0xb0: {  	s1 =	ssub.s32 @!p0 $0x0, s1;
	[sflag:s0] =	ssyncset.done @!p0 $0x0  }
0xb1: {  	[sflag:s0] =	ssyncadd.s32 @!p0 s1  }
0xb2: {  	[bflag:$0x3] =	sbarrier.arrive $0xFFFF  }
0xb3: {  	_ =	shalt  }

// kernel: kernel.13.cloned.1.call-start
scs
__scs_entry_jumppad:
0x0: {  	(pc) =	sbr.rel $0x88, $3  }
0x1: {  	(tag) =	ssettag $0x0;
	lr =	simm.s32 $0x1  }
0x2: {  	[smem:$0x3F9B] =	sst lr;
	_ =	strace $0xD0000000  }
0x3: {  	_ = 	snop  }
0x4: {  	_ = 	snop  }
0x5: {  	_ = 	snop  }
0x6: {  	_ = 	snop  }
0x7: {  	_ = 	snop  }
__scs_overlays_trampoline_lowered:
0x8: {  	[smem:$0x3FAA] =	sst s0  }
0x9: {  	[smem:$0x3FAB] =	sst s1  }
0xa: {  	[smem:$0x3FAC] =	sst s2  }
0xb: {  	[smem:$0x3FAD] =	sst s3  }
0xc: {  	[smem:$0x3FAE] =	sst s4  }
0xd: {  	[smem:$0x3FAF] =	sst s5  }
0xe: {  	[smem:$0x3FB0] =	sst s6  }
0xf: {  	[smem:$0x3FB1] =	sst s7  }
0x10: {  	[smem:$0x3FB2] =	sst s8  }
0x11: {  	[smem:$0x3FB3] =	sst s9;
	s0 =	simm.s32 @!p0 $0x0  }
0x12: {  	s1 =	sld [smem:$0x3F99];
	s0 =	simm.s32 @p0 $0x1  }
0x13: {  	[smem:$0x3FB4] =	sst s0;
	s0 =	simm.s32 @!p1 $0x0  }
0x14: {  	s2 =	sld [smem:$0x3F98];
	s0 =	simm.s32 @p1 $0x1  }
0x15: {  	[smem:$0x3FB5] =	sst s0;
	s0 =	simm.s32 @!p2 $0x0  }
0x16: {  	s3 =	sld [smem:$0x3FDB];
	s0 =	simm.s32 @p2 $0x1  }
0x17: {  	s4 =	simm.s32 $0x1BF5;
	[smem:$0x3FB7] =	sst s0  }
0x18: {  	s0 =	sld [smem:$0x3F9A];
	_ =	swait.ge [sflag:s4], $0x0  }
0x19: {  	s7 =	sld [smem:$0x3F9B]  }
0x1a: {  	s8 =	sadd.s32 $0xFFFFE003, lr  }
0x1b: {  	s9 =	sadd.s32 $0xFFFFFEF7, lr;
	s5 =	simm.s32 $0xFFFFFFFF;
	p2 =	slt.u32 s8, $0xFFFFF086  }
0x1c: {  	p1 =	slt.u32 s9, $0xF7A;
	s5 =	simm.s32 @!p2 $0x0  }
0x1d: {  	s5 =	simm.s32 @p1 $0x1;
	p0 =	seq.s32 s7, s2  }
0x1e: {  	s7 =	smul.u32 @!p0 $0xF7A, s2;
	p2 =	seq.s32 @!p0 s5, $0x0  }
0x1f: {  	s9 =	smul.u32 $0xF7A, s1;
	s8 =	simm.s32 @!p0 $0x1BF5;
	p2 =	por !p2, p0  }
0x20: {  	[sflag:s8] =	ssyncset.s32 @!p0 $0xFFFFF086;
	s6 =	sadd.s32 @!p0 s3, s7;
	s7 =	simm.s32 @!p0 $0x108  }
0x21: {  	s3 =	sadd.s32 s3, s9;
	s6 =	sadd.s32 @!p0 $0x88, s6;
	s7 =	simm.s32 @p2 $0x1082  }
0x22: {  	[simem:s7], [sflag:s8] =	dma.local @!p0 [hbm:s6], $0xF7A  }
0x23: {  	s9 =	sor.u32 $0xD0000000, s2;
	s6 =	simm.s32 $0x108;
	_ =	swait.ge @!p0 [sflag:s8], $0x0  }
0x24: {  	s3 =	sadd.s32 $0x88, s3;
	s6 =	simm.s32 @!p1 $0x1082;
	[sflag:s4] =	ssyncset.s32 $0xFFFFF086  }
0x25: {  	[simem:s6], [sflag:s4] =	dma.local [hbm:s3], $0xF7A  }
0x26: {  	[smem:$0x3F9B] =	sst s1;
	(tag) =	ssettag s2;
	_ =	strace s9  }
0x27: {  	s1 =	sld [smem:$0x3FAB]  }
0x28: {  	s2 =	sld [smem:$0x3FAC]  }
0x29: {  	s4 =	sld [smem:$0x3FAE]  }
0x2a: {  	p0 =	seq.s32 s5, $0x0;
	s5 =	sld [smem:$0x3FAF]  }
0x2b: {  	s6 =	sld [smem:$0x3FB0]  }
0x2c: {  	s7 =	sld [smem:$0x3FB1]  }
0x2d: {  	s3 =	simm.s32 $0x108;
	s8 =	sld [smem:$0x3FB2]  }
0x2e: {  	s3 =	simm.s32 @!p0 $0x1082;
	s9 =	sld [smem:$0x3FB3]  }
0x2f: {  	lr =	sadd.s32 s0, s3;
	s0 =	sld [smem:$0x3FAA]  }
0x30: {  	s3 =	sld [smem:$0x3FAD]  }
0x31: {  	[smem:$0x3FB6] =	sst s10  }
0x32: {  	s10 =	sld [smem:$0x3FB4];
	_ =	sdelay $0x3  }
0x33: {  	p0 =	seq.s32 s10, $0x1;
	s10 =	sld [smem:$0x3FB6];
	_ =	sdelay $0x3  }
0x34: {  	[smem:$0x3FB6] =	sst s10  }
0x35: {  	s10 =	sld [smem:$0x3FB5];
	_ =	sdelay $0x3  }
0x36: {  	p1 =	seq.s32 s10, $0x1;
	s10 =	sld [smem:$0x3FB6];
	_ =	sdelay $0x3  }
0x37: {  	[smem:$0x3FB6] =	sst s10  }
0x38: {  	s10 =	sld [smem:$0x3FB7]  }
0x39: {  	_ = 	snop;
	(pc) =	sbr.ind lr, $3  }
0x3a: {  	_ = 	snop  }
0x3b: {  	_ = 	snop  }
0x3c: {  	p2 =	seq.s32 s10, $0x1;
	s10 =	sld [smem:$0x3FB6]  }
0x3d: {  	_ =	shalt  }
0x3e: {  	_ =	shalt  }
0x3f: {  	_ =	shalt  }
0x40: {  	_ =	shalt  }
0x41: {  	_ =	shalt  }
0x42: {  	_ =	shalt  }
0x43: {  	_ =	shalt  }
0x44: {  	_ =	shalt  }
0x45: {  	_ =	shalt  }
0x46: {  	_ =	shalt  }
0x47: {  	_ =	shalt  }
0x48: {  	_ =	shalt  }
0x49: {  	_ =	shalt  }
0x4a: {  	_ =	shalt  }
0x4b: {  	_ =	shalt  }
0x4c: {  	_ =	shalt  }
0x4d: {  	_ =	shalt  }
0x4e: {  	_ =	shalt  }
0x4f: {  	_ =	shalt  }
0x50: {  	_ =	shalt  }
0x51: {  	_ =	shalt  }
0x52: {  	_ =	shalt  }
0x53: {  	_ =	shalt  }
0x54: {  	_ =	shalt  }
0x55: {  	_ =	shalt  }
0x56: {  	_ =	shalt  }
0x57: {  	_ =	shalt  }
0x58: {  	_ =	shalt  }
0x59: {  	_ =	shalt  }
0x5a: {  	_ =	shalt  }
0x5b: {  	_ =	shalt  }
0x5c: {  	_ =	shalt  }
0x5d: {  	_ =	shalt  }
0x5e: {  	_ =	shalt  }
0x5f: {  	_ =	shalt  }
0x60: {  	_ =	shalt  }
0x61: {  	_ =	shalt  }
0x62: {  	_ =	shalt  }
0x63: {  	_ =	shalt  }
0x64: {  	_ =	shalt  }
0x65: {  	_ =	shalt  }
0x66: {  	_ =	shalt  }
0x67: {  	_ =	shalt  }
0x68: {  	_ =	shalt  }
0x69: {  	_ =	shalt  }
0x6a: {  	_ =	shalt  }
0x6b: {  	_ =	shalt  }
0x6c: {  	_ =	shalt  }
0x6d: {  	_ =	shalt  }
0x6e: {  	_ =	shalt  }
0x6f: {  	_ =	shalt  }
0x70: {  	_ =	shalt  }
0x71: {  	_ =	shalt  }
0x72: {  	_ =	shalt  }
0x73: {  	_ =	shalt  }
0x74: {  	_ =	shalt  }
0x75: {  	_ =	shalt  }
0x76: {  	_ =	shalt  }
0x77: {  	_ =	shalt  }
0x78: {  	_ =	shalt  }
0x79: {  	_ =	shalt  }
0x7a: {  	_ =	shalt  }
0x7b: {  	_ =	shalt  }
0x7c: {  	_ =	shalt  }
0x7d: {  	_ =	shalt  }
0x7e: {  	_ =	shalt  }
0x7f: {  	_ =	shalt  }
0x80: {  	_ =	shalt  }
0x81: {  	_ =	shalt  }
0x82: {  	_ =	shalt  }
0x83: {  	_ =	shalt  }
0x84: {  	_ =	shalt  }
0x85: {  	_ =	shalt  }
0x86: {  	_ =	shalt  }
0x87: {  	_ =	shalt  }
.Lfunc_end0:
.L_simem_size_0:
called_computation.1_lowered:
.L_overlay_start_0:
0x88: {  	s2 =	sld [smem:$0x3FD9]  }
0x89: {  	s3 =	sld [smem:$0x3FFE];
	_ =	sdelay $0x1  }
0x8a: {  	s1 =	srdreg.scid  }
0x8b: {  	s0 =	sand.u32 $0x1, s1  }
0x8c: {  	s16 =	sshll.u32 s0, $0xA;
	s2 =	sadd.s32 s3, s2  }
0x8d: {  	s2 =	sadd.s32 s2, s16  }
0x8e: {  	[smem:$0x3FC2] =	sst s2  }
0x8f: {  	_ = 	snop  }
0x90: {  	(tm) =	ssettm $0x1  }
0x91: {  	s17 =	sld [smem:$0x3FFB];
	_ =	sdelay $0x3  }
0x92: {  	_ =	strace s17  }
0x93: {  	s2 =	sld [smem:$0x3FFC];
	_ =	sdelay $0x3  }
0x94: {  	_ =	strace s2  }
0x95: {  	s2 =	sld [smem:$0x3FFD];
	_ =	sdelay $0x3  }
0x96: {  	_ =	strace s2  }
0x97: {  	_ =	strace $0x8FFFFFFF  }
0x98: {  	s18 =	sld [smem:$0x3FDB];
	_ =	sdelay $0x1  }
0x99: {  	s19 =	simm.s32 $_scs_section_size  }
0x9a: {  	s4 =	simm.s32 $_size__tile_overlayer_lowered;
	s5 =	simm.s32 $_tile_overlayer_lowered  }
0x9b: {  	s22 =	simm.s32 $0x1BFF;
	s21 =	sshll.u32 s5, $0x1;
	s2 =	sadd.s32 s19, s18  }
0x9c: {  	s6 =	simm.s32 $0x0;
	s20 =	sshll.u32 s4, $0x1;
	s4 =	sadd.s32 s21, s2  }
0x9d: {  	[timem:s6], [sflag:s22] =	dma.local [hbm:s4], s20  }
0x9e: {  	_ =	swait.ge [sflag:s22], s20  }
0x9f: {  	s3 =	ssub.s32 $0x0, s20;
	[sflag:s22] =	ssyncset.done $0x0  }
0xa0: {  	[sflag:s22] =	ssyncadd.s32 s3;
	_ =	sdelay $0x1  }
0xa1: {  	s23 =	simm.s32 $0x1B8B  }
0xa2: {  	_ =	swait.ge [sflag:s23], $0x1  }
0xa3: {  	[sflag:s23] =	ssyncset.done $0x0  }
0xa4: {  	s25 =	simm.s32 $0x1B8E;
	s24 =	sld [smem:$0x3FFE];
	[sflag:s23] =	ssyncadd.s32 $0xFFFFFFFF  }
0xa5: {  	s26 =	simm.s32 $execute0_lowered;
	[smem:$0x3FD2] =	sst s25  }
0xa6: {  	s4 =	sshll.u32 s26, $0x1;
	_ =	strace $0x80000049;
	[dreg:$0x1] =	wrdreg $0xFFFFFFFF  }
0xa7: {  	s28 =	simm.s32 $_size_execute0_lowered;
	s2 =	sadd.s32 s2, s4;
	[dreg:$0x0] =	wrdreg $0x0  }
0xa8: {  	s4 =	sshll.u32 s28, $0x1;
	[dreg:$0x2] =	wrdreg s2  }
0xa9: {  	[dreg:$0x3] =	wrdreg s4  }
0xaa: {  	[dreg:$0x4] =	wrdreg $0xC0  }
0xab: {  	_ =	task [dreg:s6], $0x5FFFF  }
0xac: {  	[dreg:$0x1] =	wrdreg $0xFFFFFFFF  }
0xad: {  	[dreg:$0x0] =	wrdreg $0x60  }
0xae: {  	[dreg:$0x2] =	wrdreg s24  }
0xaf: {  	[dreg:$0x3] =	wrdreg $0x6E900  }
0xb0: {  	[dreg:$0x4] =	wrdreg $0x96100  }
0xb1: {  	[dreg:$0x5] =	wrdreg $0x9  }
0xb2: {  	_ =	task.clear_ibuf [dreg:s6], $0x6FFFF;
	_ =	strace $0x90000049  }
0xb3: {  	s29 =	simm.s32 $0x9;
	_ =	strace $0x8000004B  }
0xb4: {  	_ =	swait.ge [sflag:s29], $0x1  }
0xb5: {  	[sflag:s29] =	ssyncadd.s32 $0xFFFFFFFF  }
0xb6: {  	_ =	strace $0x9000004B  }
0xb7: {  	_ =	sfence  }
0xb8: {  	s30 =	sld [smem:$0x0];
	_ =	sdelay $0x2  }
0xb9: {  	s31 =	sshll.u32 s1, $0xD;
	s1 =	sshrl.u32 s1, $0x2  }
0xba: {  	s3 =	sand.u32 $0x4000, s31;
	s1 =	sadd.s32 s1, s30  }
0xbb: {  	s0 =	sor.u32 s3, s0;
	s1 =	sshll.u32 s1, $0x11  }
0xbc: {  	s0 =	sor.u32 s1, s0  }
0xbd: {  	s0 =	sadd.s32 $0x8F2B, s0  }
0xbe: {  	[sflag:s0] =	ssyncadd.remote.s32 $0x1  }
0xbf: {  	_ =	sfence.sel $0xFFFF  }
0xc0: {  	[dreg:$0x0] =	wrdreg $0xFFFFFFFF;
	(pc) =	sbr.abs _section_cstart, $3  }
0xc1: {  	[dreg:$0x1] =	wrdreg $0xFFFFFFFF  }
0xc2: {  	_ =	task.clear_ibuf [dreg:s6], $0x2FFFF;
	_ =	strace $0x9FFFFFFF  }
0xc3: {  	(tm) =	ssettm $0x7FFFFFFF  }
tec
execute0_lowered:
.L_overlay_start_1:
0x0: {  	(tag) =	ssettag $0x1  }
0x1: {  	s5 =	rddreg [dreg:$0x0];
	s0 =	stileid.u32  }
0x2: {  	s1 =	srdreg.scid;
	s2 =	rddreg [dreg:$0x1]  }
0x3: {  	s3 =	rddreg [dreg:$0x2];
	s4 =	simm.s32 $0x0;
	s12 =	simm.s32 $0x5  }
0x4: {  	s15 =	simm.s32 $0x2710;
	s16 =	simm.s32 $0x80;
	s17 =	simm.s32 $0x3  }
0x5: {  	s18 =	simm.s32 $0x2688;
	s19 =	simm.s32 $0x3710;
	s20 =	simm.s32 $0x8  }
0x6: {  	s21 =	simm.s32 $0x1380;
	s22 =	simm.s32 $0x3F10;
	s23 =	simm.s32 $0x2708  }
0x7: {  	s24 =	simm.s32 $0x0;
	s6 =	sand.u32 $0x1, s1;
	s31 =	sshll.u32 s0, $0x1  }
0x8: {  	s7 =	smul.u32 $0x2780, s0;
	[smem:$0x7FF] =	sst s4;
	s13 =	sshll.u32 s0, $0x6  }
0x9: {  	s8 =	sor.u32 s6, s31;
	s10 =	smul.u32 $0x27800, s6;
	_ =	strace $0x8000004A  }
0xa: {  	s6 =	ssub.s32 $0x2, s6;
	s13 =	sor.u32 $0x1C05, s13;
	s8 =	smul.u32 $0x1388, s8  }
0xb: {  	s9 =	sshrl.u32 s7, $0x3;
	s11 =	sshrl.u32 s6, $0x1;
	s14 =	sadd.s32 s7, s3  }
0xc: {  	s9 =	sadd.s32 s9, s5;
	s10 =	sadd.s32 s7, s10;
	s11 =	ssub.s32 s6, s11  }
0xd: {  	s14 =	sshrl.u32 s14, $0x3;
	s8 =	sshrl.u32 s8, $0x3;
	s10 =	sshrl.u32 s10, $0x3  }
0xe: {  	s6 =	sadd.s32 $0xC000, s9;
	s8 =	sadd.s32 s8, s5;
	s10 =	sadd.s32 s10, s5  }
0xf: {  	s5 =	sadd.s32 s7, s2;
	s7 =	sadd.s32 $0x2200, s8;
	s8 =	sadd.s32 $0x7020, s8  }
0x10: {  	v0 =	vimm.f32 $0.0e+00;
	s9 =	sadd.s32 $0x11000, s10;
	s10 =	smax.u32 s11, $0x1;
	s11 =	simm.s32 $0x4710  }
.LBB2_1:
0x11: {  	s25 =	simm.s32 $0x40;
	s26 =	simm.s32 $0x0  }
.LBB2_2:
0x12: {  	p0 =	sne.s32 s25, $0x9DC0;
	[tilespmem:s26+$0x4710] =	vst v0;
	s26 =	smov.u32 s25;
	s25 =	sadd.s32 $0x40, s25  }
.Ltmp0:
0x13: {  	(pc) =	sbr.rel @p0 .LBB2_2-.Ltmp0, $2  }
0x14: {  	_ =	sdelay $0x2  }
0x15: {  	s26 =	sshra.s32 s26, $0x2  }
0x16: {  	[tilespmem:s26+$0x4710] =	vst v0  }
0x17: {  	[spmem:s5] =	stream.linear.scatter [tilespmem:s11], [sflag:$0x5], $0x2780, $0x38;
	[tilespmem:$0xBD90] =	vst v63  }
0x18: {  	_ =	swait.ge [sflag:s12], $0x2780  }
0x19: {  	[sflag:s12] =	ssyncset.done $0x0  }
0x1a: {  	[sflag:s12] =	ssyncadd.s32 $0xFFFFD880  }
0x1b: {  	[spmem:s14], [sflag:s13] =	dma.local [hbm:s6], $0x4F0  }
0x1c: {  	_ =	swait.ge [sflag:s12], $0x4F0  }
0x1d: {  	[sflag:s12] =	ssyncset.done $0x0  }
0x1e: {  	[sflag:s12] =	ssyncadd.s32 $0xFFFFFB10  }
0x1f: {  	[tilespmem:s4], [sflag:$0x5] =	stream.linear.gather [hbm4b:s7+s4], $0x1388, $0x38;
	[tilespmem:$0xBD90] =	vst v63  }
0x20: {  	_ =	swait.ge [sflag:s12], $0x1388  }
0x21: {  	[sflag:s12] =	ssyncset.done $0x0  }
0x22: {  	s25 =	simm.s32 $0x1388;
	[sflag:s12] =	ssyncadd.s32 $0xFFFFEC78  }
0x23: {  	[tilespmem:s25], [sflag:$0x5] =	stream.linear.gather [hbm4b:s8+s4], $0x1388, $0x38;
	[tilespmem:$0xBD90] =	vst v63  }
0x24: {  	_ =	swait.ge [sflag:s12], $0x1388  }
0x25: {  	s0 =	simm.s32 $0x80;
	s28 =	simm.s32 $0x1;
	[sflag:s12] =	ssyncset.done $0x0  }
0x26: {  	s29 =	simm.s32 $0x0;
	s28 =	sand.u32 $0x3, s28;
	[sflag:s12] =	ssyncadd.s32 $0xFFFFEC78  }
0x27: {  	s29 =	sand.u32 $0x3, s29;
	s30 =	sshll.u32 s28, $0xB;
	[bflag:$0x0] =	sbarrier.arrive $0xFFFF  }
0x28: {  	[tilespmem:s15], [sflag:$0x1] =	stream.indirect.gather [spmem:s3], $0x10, s4, s0, $0xb8;
	[tilespmem:$0xBD90] =	vst v63  }
0x29: {  	s28 =	sadd.s32 $0x1, s28;
	s31 =	sadd.s32 $0x1, s29;
	s30 =	sor.u32 $0x2710, s30  }
0x2a: {  	[tilespmem:s30], [sflag:s28] =	stream.indirect.gather [spmem:s3], $0x10, s0, s16, $0xb8;
	[tilespmem:$0xBD90] =	vst v63  }
0x2b: {  	s1 =	sshll.u32 s29, $0xB;
	_ =	swait.ge [sflag:s31], $0x800  }
0x2c: {  	s29 =	simm.s32 $0x3;
	s28 =	simm.s32 $0x2;
	[sflag:s31] =	ssyncset.done $0x0  }
0x2d: {  	s26 =	sor.u32 $0x2710, s1;
	s30 =	sand.u32 $0x3, s28;
	[sflag:s31] =	ssyncadd.s32 $0xFFFFF800  }
0x2e: {  	[spmem:s2] =	stream.indirect.scatter.add.f32 [tilespmem:s26], [sflag:$0x5], $0x10, s25, s16, $0xb8;
	[tilespmem:$0xBD90] =	vst v63  }
0x2f: {  	s26 =	simm.s32 $0x100;
	s25 =	simm.s32 $0x1408;
	_ =	swait.ge [sflag:s12], $0x800  }
.LBB2_4:
0x30: {  	s31 =	sadd.s32 $0xFFFFFFFF, s28;
	s1 =	sshll.u32 s30, $0xB  }
0x31: {  	[sflag:s12] =	ssyncset.done $0x0;
	s28 =	smov.u32 s29;
	s30 =	sadd.s32 $0x1, s30  }
0x32: {  	p0 =	sne.s32 s29, $0x26;
	s1 =	sor.u32 $0x2710, s1;
	s31 =	sand.u32 $0x3, s31  }
0x33: {  	s0 =	sshll.u32 s31, $0xB;
	s31 =	sadd.s32 $0x1, s31;
	[sflag:s12] =	ssyncadd.s32 $0xFFFFF800  }
0x34: {  	[tilespmem:s1], [sflag:s30] =	stream.indirect.gather [spmem:s3], $0x10, s26, s16, $0xb8;
	[tilespmem:$0xBD90] =	vst v63  }
.Ltmp1:
0x35: {  	s1 =	sadd.s32 $0x1, s29;
	_ =	swait.ge [sflag:s31], $0x800;
	(pc) =	sbr.rel @p0 .LBB2_4-.Ltmp1, $4  }
0x36: {  	s0 =	sor.u32 $0x2710, s0;
	[sflag:s31] =	ssyncset.done $0x0  }
0x37: {  	s26 =	sadd.s32 $0x80, s26;
	s30 =	sand.u32 $0x3, s28;
	[sflag:s31] =	ssyncadd.s32 $0xFFFFF800  }
0x38: {  	[spmem:s2] =	stream.indirect.scatter.add.f32 [tilespmem:s0], [sflag:$0x5], $0x10, s25, s16, $0xb8;
	[tilespmem:$0xBD90] =	vst v63  }
0x39: {  	s29 =	smov.u32 s1;
	s25 =	sadd.s32 $0x80, s25;
	_ =	swait.ge [sflag:s12], $0x800  }
0x3a: {  	s0 =	sadd.s32 $0xFFFFFFFF, s28;
	s1 =	sshll.u32 s30, $0xB  }
0x3b: {  	[sflag:s12] =	ssyncset.done $0x0;
	s30 =	sadd.s32 $0x1, s30;
	s0 =	sand.u32 $0x3, s0  }
0x3c: {  	s1 =	sor.u32 $0x2710, s1;
	[sflag:s12] =	ssyncadd.s32 $0xFFFFF800;
	s29 =	sadd.s32 $0x1, s0  }
0x3d: {  	[tilespmem:s1], [sflag:s30] =	stream.indirect.gather [spmem:s3], $0x10, s26, s16, $0xb8;
	[tilespmem:$0xBD90] =	vst v63  }
0x3e: {  	_ =	swait.ge [sflag:s29], $0x800  }
0x3f: {  	s0 =	sshll.u32 s0, $0xB;
	[sflag:s29] =	ssyncset.done $0x0  }
0x40: {  	s0 =	sor.u32 $0x2710, s0;
	[sflag:s29] =	ssyncadd.s32 $0xFFFFF800  }
0x41: {  	[spmem:s2] =	stream.indirect.scatter.add.f32 [tilespmem:s0], [sflag:$0x5], $0x10, s25, s16, $0xb8;
	[tilespmem:$0xBD90] =	vst v63  }
0x42: {  	_ =	swait.ge [sflag:s12], $0x800  }
0x43: {  	[sflag:s12] =	ssyncset.done $0x0  }
0x44: {  	[sflag:s12] =	ssyncadd.s32 $0xFFFFF800  }
0x45: {  	_ =	swait.ge [sflag:s17], $0x800  }
0x46: {  	[sflag:s17] =	ssyncset.done $0x0  }
0x47: {  	[sflag:s17] =	ssyncadd.s32 $0xFFFFF800  }
0x48: {  	[spmem:s2] =	stream.indirect.scatter.add.f32 [tilespmem:s19], [sflag:$0x5], $0x10, s18, s16, $0xb8;
	[tilespmem:$0xBD90] =	vst v63  }
0x49: {  	_ =	swait.ge [sflag:s12], $0x800  }
0x4a: {  	[sflag:s12] =	ssyncset.done $0x0  }
0x4b: {  	[sflag:s12] =	ssyncadd.s32 $0xFFFFF800  }
0x4c: {  	[tilespmem:s22], [sflag:$0x5] =	stream.indirect.gather [spmem:s3], $0x10, s21, s20, $0xb8;
	[tilespmem:$0xBD90] =	vst v63  }
0x4d: {  	_ =	swait.ge [sflag:s12], $0x80  }
0x4e: {  	[sflag:s12] =	ssyncset.done $0x0  }
0x4f: {  	[sflag:s12] =	ssyncadd.s32 $0xFFFFFF80  }
0x50: {  	[spmem:s2] =	stream.indirect.scatter.add.f32 [tilespmem:s22], [sflag:$0x5], $0x10, s23, s20, $0xb8;
	[tilespmem:$0xBD90] =	vst v63  }
0x51: {  	_ =	swait.ge [sflag:s12], $0x80  }
0x52: {  	s24 =	sadd.s32 $0x1, s24;
	[sflag:s12] =	ssyncset.done $0x0  }
0x53: {  	p0 =	sne.s32 s24, s10;
	[sflag:s12] =	ssyncadd.s32 $0xFFFFFF80  }
.Ltmp2:
0x54: {  	s31 =	sshrl.u32 s5, $0x3;
	[bflag:$0x0] =	sbarrier.arrive $0xFFFF;
	(pc) =	sbr.rel @p0 .LBB2_1-.Ltmp2, $4  }
0x55: {  	[hbm:s9], [sflag:s13] =	dma.local [spmem:s31], $0x4F0  }
0x56: {  	_ =	swait.ge [sflag:s12], $0x4F0  }
0x57: {  	[sflag:s12] =	ssyncset.done $0x0  }
0x58: {  	[sflag:s12] =	ssyncadd.s32 $0xFFFFFB10  }
0x59: {  	_ =	sfence.sel $0x180000  }
0x5a: {  	[bflag:$0x0] =	sbarrier.arrive $0xFFFF  }
0x5b: {  	_ =	strace $0x9000004A  }
0x5c: {  	s0 =	stileid.u32;
	[bflag:$0x2] =	sbarrier.arrive $0xFFFF  }
0x5d: {  	p0 =	sne.s32 s0, $0x0;
	s0 =	rddreg [dreg:$0x3]  }
0x5e: {  	s0 =	sadd.s32 @!p0 $0x100000, s0  }
0x5f: {  	[sflag:s0] =	ssyncadd.tile.s32 @!p0 $0x1;
	_ =	shalt  }
.Lfunc_end2:
_tile_overlayer_lowered:
.L_overlay_start_2:
0x60: {  	(tag) =	ssettag $0x2  }
0x61: {  	s0 =	rddreg [dreg:$0x0];
	s2 =	stileid.u32  }
0x62: {  	s1 =	rddreg [dreg:$0x1];
	p0 =	sne.s32 s2, $0x0  }
0x63: {  	s3 =	rddreg [dreg:$0x2];
	[bflag:$0x3] =	sbarrier.arrive $0xFFFF;
	s2 =	simm.s32 @!p0 $0x1C05  }
0x64: {  	[timem:s3], [sflag:s2] =	dma.local @!p0 [hbm:s0], s1  }
0x65: {  	s0 =	simm.s32 @!p0 $0x5  }
0x66: {  	_ =	swait.ge @!p0 [sflag:s0], s1  }
0x67: {  	s1 =	ssub.s32 @!p0 $0x0, s1;
	[sflag:s0] =	ssyncset.done @!p0 $0x0  }
0x68: {  	[sflag:s0] =	ssyncadd.s32 @!p0 s1  }
0x69: {  	[bflag:$0x3] =	sbarrier.arrive $0xFFFF  }
0x6a: {  	_ =	shalt  }

// kernel: kernel.16.cloned.1.call-start
scs
__scs_entry_jumppad:
0x0: {  	(pc) =	sbr.rel $0x88, $3  }
0x1: {  	(tag) =	ssettag $0x0;
	lr =	simm.s32 $0x1  }
0x2: {  	[smem:$0x3F9B] =	sst lr;
	_ =	strace $0xD0000000  }
0x3: {  	_ = 	snop  }
0x4: {  	_ = 	snop  }
0x5: {  	_ = 	snop  }
0x6: {  	_ = 	snop  }
0x7: {  	_ = 	snop  }
__scs_overlays_trampoline_lowered:
0x8: {  	[smem:$0x3FAA] =	sst s0  }
0x9: {  	[smem:$0x3FAB] =	sst s1  }
0xa: {  	[smem:$0x3FAC] =	sst s2  }
0xb: {  	[smem:$0x3FAD] =	sst s3  }
0xc: {  	[smem:$0x3FAE] =	sst s4  }
0xd: {  	[smem:$0x3FAF] =	sst s5  }
0xe: {  	[smem:$0x3FB0] =	sst s6  }
0xf: {  	[smem:$0x3FB1] =	sst s7  }
0x10: {  	[smem:$0x3FB2] =	sst s8  }
0x11: {  	[smem:$0x3FB3] =	sst s9;
	s0 =	simm.s32 @!p0 $0x0  }
0x12: {  	s1 =	sld [smem:$0x3F99];
	s0 =	simm.s32 @p0 $0x1  }
0x13: {  	[smem:$0x3FB4] =	sst s0;
	s0 =	simm.s32 @!p1 $0x0  }
0x14: {  	s2 =	sld [smem:$0x3F98];
	s0 =	simm.s32 @p1 $0x1  }
0x15: {  	[smem:$0x3FB5] =	sst s0;
	s0 =	simm.s32 @!p2 $0x0  }
0x16: {  	s3 =	sld [smem:$0x3FDB];
	s0 =	simm.s32 @p2 $0x1  }
0x17: {  	s4 =	simm.s32 $0x1BF5;
	[smem:$0x3FB7] =	sst s0  }
0x18: {  	s0 =	sld [smem:$0x3F9A];
	_ =	swait.ge [sflag:s4], $0x0  }
0x19: {  	s7 =	sld [smem:$0x3F9B]  }
0x1a: {  	s8 =	sadd.s32 $0xFFFFE003, lr  }
0x1b: {  	s9 =	sadd.s32 $0xFFFFFEF7, lr;
	s5 =	simm.s32 $0xFFFFFFFF;
	p2 =	slt.u32 s8, $0xFFFFF086  }
0x1c: {  	p1 =	slt.u32 s9, $0xF7A;
	s5 =	simm.s32 @!p2 $0x0  }
0x1d: {  	s5 =	simm.s32 @p1 $0x1;
	p0 =	seq.s32 s7, s2  }
0x1e: {  	s7 =	smul.u32 @!p0 $0xF7A, s2;
	p2 =	seq.s32 @!p0 s5, $0x0  }
0x1f: {  	s9 =	smul.u32 $0xF7A, s1;
	s8 =	simm.s32 @!p0 $0x1BF5;
	p2 =	por !p2, p0  }
0x20: {  	[sflag:s8] =	ssyncset.s32 @!p0 $0xFFFFF086;
	s6 =	sadd.s32 @!p0 s3, s7;
	s7 =	simm.s32 @!p0 $0x108  }
0x21: {  	s3 =	sadd.s32 s3, s9;
	s6 =	sadd.s32 @!p0 $0x88, s6;
	s7 =	simm.s32 @p2 $0x1082  }
0x22: {  	[simem:s7], [sflag:s8] =	dma.local @!p0 [hbm:s6], $0xF7A  }
0x23: {  	s9 =	sor.u32 $0xD0000000, s2;
	s6 =	simm.s32 $0x108;
	_ =	swait.ge @!p0 [sflag:s8], $0x0  }
0x24: {  	s3 =	sadd.s32 $0x88, s3;
	s6 =	simm.s32 @!p1 $0x1082;
	[sflag:s4] =	ssyncset.s32 $0xFFFFF086  }
0x25: {  	[simem:s6], [sflag:s4] =	dma.local [hbm:s3], $0xF7A  }
0x26: {  	[smem:$0x3F9B] =	sst s1;
	(tag) =	ssettag s2;
	_ =	strace s9  }
0x27: {  	s1 =	sld [smem:$0x3FAB]  }
0x28: {  	s2 =	sld [smem:$0x3FAC]  }
0x29: {  	s4 =	sld [smem:$0x3FAE]  }
0x2a: {  	p0 =	seq.s32 s5, $0x0;
	s5 =	sld [smem:$0x3FAF]  }
0x2b: {  	s6 =	sld [smem:$0x3FB0]  }
0x2c: {  	s7 =	sld [smem:$0x3FB1]  }
0x2d: {  	s3 =	simm.s32 $0x108;
	s8 =	sld [smem:$0x3FB2]  }
0x2e: {  	s3 =	simm.s32 @!p0 $0x1082;
	s9 =	sld [smem:$0x3FB3]  }
0x2f: {  	lr =	sadd.s32 s0, s3;
	s0 =	sld [smem:$0x3FAA]  }
0x30: {  	s3 =	sld [smem:$0x3FAD]  }
0x31: {  	[smem:$0x3FB6] =	sst s10  }
0x32: {  	s10 =	sld [smem:$0x3FB4];
	_ =	sdelay $0x3  }
0x33: {  	p0 =	seq.s32 s10, $0x1;
	s10 =	sld [smem:$0x3FB6];
	_ =	sdelay $0x3  }
0x34: {  	[smem:$0x3FB6] =	sst s10  }
0x35: {  	s10 =	sld [smem:$0x3FB5];
	_ =	sdelay $0x3  }
0x36: {  	p1 =	seq.s32 s10, $0x1;
	s10 =	sld [smem:$0x3FB6];
	_ =	sdelay $0x3  }
0x37: {  	[smem:$0x3FB6] =	sst s10  }
0x38: {  	s10 =	sld [smem:$0x3FB7]  }
0x39: {  	_ = 	snop;
	(pc) =	sbr.ind lr, $3  }
0x3a: {  	_ = 	snop  }
0x3b: {  	_ = 	snop  }
0x3c: {  	p2 =	seq.s32 s10, $0x1;
	s10 =	sld [smem:$0x3FB6]  }
0x3d: {  	_ =	shalt  }
0x3e: {  	_ =	shalt  }
0x3f: {  	_ =	shalt  }
0x40: {  	_ =	shalt  }
0x41: {  	_ =	shalt  }
0x42: {  	_ =	shalt  }
0x43: {  	_ =	shalt  }
0x44: {  	_ =	shalt  }
0x45: {  	_ =	shalt  }
0x46: {  	_ =	shalt  }
0x47: {  	_ =	shalt  }
0x48: {  	_ =	shalt  }
0x49: {  	_ =	shalt  }
0x4a: {  	_ =	shalt  }
0x4b: {  	_ =	shalt  }
0x4c: {  	_ =	shalt  }
0x4d: {  	_ =	shalt  }
0x4e: {  	_ =	shalt  }
0x4f: {  	_ =	shalt  }
0x50: {  	_ =	shalt  }
0x51: {  	_ =	shalt  }
0x52: {  	_ =	shalt  }
0x53: {  	_ =	shalt  }
0x54: {  	_ =	shalt  }
0x55: {  	_ =	shalt  }
0x56: {  	_ =	shalt  }
0x57: {  	_ =	shalt  }
0x58: {  	_ =	shalt  }
0x59: {  	_ =	shalt  }
0x5a: {  	_ =	shalt  }
0x5b: {  	_ =	shalt  }
0x5c: {  	_ =	shalt  }
0x5d: {  	_ =	shalt  }
0x5e: {  	_ =	shalt  }
0x5f: {  	_ =	shalt  }
0x60: {  	_ =	shalt  }
0x61: {  	_ =	shalt  }
0x62: {  	_ =	shalt  }
0x63: {  	_ =	shalt  }
0x64: {  	_ =	shalt  }
0x65: {  	_ =	shalt  }
0x66: {  	_ =	shalt  }
0x67: {  	_ =	shalt  }
0x68: {  	_ =	shalt  }
0x69: {  	_ =	shalt  }
0x6a: {  	_ =	shalt  }
0x6b: {  	_ =	shalt  }
0x6c: {  	_ =	shalt  }
0x6d: {  	_ =	shalt  }
0x6e: {  	_ =	shalt  }
0x6f: {  	_ =	shalt  }
0x70: {  	_ =	shalt  }
0x71: {  	_ =	shalt  }
0x72: {  	_ =	shalt  }
0x73: {  	_ =	shalt  }
0x74: {  	_ =	shalt  }
0x75: {  	_ =	shalt  }
0x76: {  	_ =	shalt  }
0x77: {  	_ =	shalt  }
0x78: {  	_ =	shalt  }
0x79: {  	_ =	shalt  }
0x7a: {  	_ =	shalt  }
0x7b: {  	_ =	shalt  }
0x7c: {  	_ =	shalt  }
0x7d: {  	_ =	shalt  }
0x7e: {  	_ =	shalt  }
0x7f: {  	_ =	shalt  }
0x80: {  	_ =	shalt  }
0x81: {  	_ =	shalt  }
0x82: {  	_ =	shalt  }
0x83: {  	_ =	shalt  }
0x84: {  	_ =	shalt  }
0x85: {  	_ =	shalt  }
0x86: {  	_ =	shalt  }
0x87: {  	_ =	shalt  }
.Lfunc_end0:
.L_simem_size_0:
called_computation.2_lowered:
.L_overlay_start_0:
0x88: {  	s2 =	sld [smem:$0x3FD9]  }
0x89: {  	s3 =	sld [smem:$0x3FFE];
	_ =	sdelay $0x1  }
0x8a: {  	s1 =	srdreg.scid  }
0x8b: {  	s0 =	sand.u32 $0x1, s1  }
0x8c: {  	s16 =	sshll.u32 s0, $0xA;
	s2 =	sadd.s32 s3, s2  }
0x8d: {  	s2 =	sadd.s32 s2, s16  }
0x8e: {  	[smem:$0x3FC2] =	sst s2  }
0x8f: {  	_ = 	snop  }
0x90: {  	(tm) =	ssettm $0x1  }
0x91: {  	s17 =	sld [smem:$0x3FFB];
	_ =	sdelay $0x3  }
0x92: {  	_ =	strace s17  }
0x93: {  	s2 =	sld [smem:$0x3FFC];
	_ =	sdelay $0x3  }
0x94: {  	_ =	strace s2  }
0x95: {  	s2 =	sld [smem:$0x3FFD];
	_ =	sdelay $0x3  }
0x96: {  	_ =	strace s2  }
0x97: {  	_ =	strace $0x8FFFFFFF  }
0x98: {  	s18 =	sld [smem:$0x3FDB];
	_ =	sdelay $0x1  }
0x99: {  	s19 =	simm.s32 $_scs_section_size  }
0x9a: {  	s4 =	simm.s32 $_size__tile_overlayer_lowered;
	s5 =	simm.s32 $_tile_overlayer_lowered  }
0x9b: {  	s22 =	simm.s32 $0x1BFF;
	s21 =	sshll.u32 s5, $0x1;
	s2 =	sadd.s32 s19, s18  }
0x9c: {  	s6 =	simm.s32 $0x0;
	s20 =	sshll.u32 s4, $0x1;
	s4 =	sadd.s32 s21, s2  }
0x9d: {  	[timem:s6], [sflag:s22] =	dma.local [hbm:s4], s20  }
0x9e: {  	_ =	swait.ge [sflag:s22], s20  }
0x9f: {  	s3 =	ssub.s32 $0x0, s20;
	[sflag:s22] =	ssyncset.done $0x0  }
0xa0: {  	[sflag:s22] =	ssyncadd.s32 s3;
	_ =	sdelay $0x1  }
0xa1: {  	s23 =	simm.s32 $0x1B8B  }
0xa2: {  	_ =	swait.ge [sflag:s23], $0x1  }
0xa3: {  	[sflag:s23] =	ssyncset.done $0x0  }
0xa4: {  	s25 =	simm.s32 $0x1B8E;
	s24 =	sld [smem:$0x3FFE];
	[sflag:s23] =	ssyncadd.s32 $0xFFFFFFFF  }
0xa5: {  	s26 =	simm.s32 $execute0_lowered;
	[smem:$0x3FD2] =	sst s25  }
0xa6: {  	s4 =	sshll.u32 s26, $0x1;
	_ =	strace $0x8000004C;
	[dreg:$0x1] =	wrdreg $0xFFFFFFFF  }
0xa7: {  	s28 =	simm.s32 $_size_execute0_lowered;
	s2 =	sadd.s32 s2, s4;
	[dreg:$0x0] =	wrdreg $0x0  }
0xa8: {  	s4 =	sshll.u32 s28, $0x1;
	[dreg:$0x2] =	wrdreg s2  }
0xa9: {  	[dreg:$0x3] =	wrdreg s4  }
0xaa: {  	[dreg:$0x4] =	wrdreg $0xC0  }
0xab: {  	_ =	task [dreg:s6], $0x5FFFF  }
0xac: {  	[dreg:$0x1] =	wrdreg $0xFFFFFFFF  }
0xad: {  	[dreg:$0x0] =	wrdreg $0x60  }
0xae: {  	[dreg:$0x2] =	wrdreg s24  }
0xaf: {  	[dreg:$0x3] =	wrdreg $0x6E900  }
0xb0: {  	[dreg:$0x4] =	wrdreg $0x96100  }
0xb1: {  	[dreg:$0x5] =	wrdreg $0x9  }
0xb2: {  	_ =	task.clear_ibuf [dreg:s6], $0x6FFFF;
	_ =	strace $0x9000004C  }
0xb3: {  	s29 =	simm.s32 $0x9;
	_ =	strace $0x8000004E  }
0xb4: {  	_ =	swait.ge [sflag:s29], $0x1  }
0xb5: {  	[sflag:s29] =	ssyncadd.s32 $0xFFFFFFFF  }
0xb6: {  	_ =	strace $0x9000004E  }
0xb7: {  	_ =	sfence  }
0xb8: {  	s30 =	sld [smem:$0x0];
	_ =	sdelay $0x2  }
0xb9: {  	s31 =	sshll.u32 s1, $0xD;
	s1 =	sshrl.u32 s1, $0x2  }
0xba: {  	s3 =	sand.u32 $0x4000, s31;
	s1 =	sadd.s32 s1, s30  }
0xbb: {  	s0 =	sor.u32 s3, s0;
	s1 =	sshll.u32 s1, $0x11  }
0xbc: {  	s0 =	sor.u32 s1, s0  }
0xbd: {  	s0 =	sadd.s32 $0x8F2B, s0  }
0xbe: {  	[sflag:s0] =	ssyncadd.remote.s32 $0x1  }
0xbf: {  	_ =	sfence.sel $0xFFFF  }
0xc0: {  	[dreg:$0x0] =	wrdreg $0xFFFFFFFF;
	(pc) =	sbr.abs _section_cstart, $3  }
0xc1: {  	[dreg:$0x1] =	wrdreg $0xFFFFFFFF  }
0xc2: {  	_ =	task.clear_ibuf [dreg:s6], $0x2FFFF;
	_ =	strace $0x9FFFFFFF  }
0xc3: {  	(tm) =	ssettm $0x7FFFFFFF  }
tec
execute0_lowered:
.L_overlay_start_1:
0x0: {  	(tag) =	ssettag $0x1  }
0x1: {  	s5 =	rddreg [dreg:$0x0];
	s0 =	stileid.u32  }
0x2: {  	s1 =	srdreg.scid;
	s2 =	rddreg [dreg:$0x1]  }
0x3: {  	s3 =	rddreg [dreg:$0x2];
	s4 =	simm.s32 $0x0;
	s12 =	simm.s32 $0x5  }
0x4: {  	s15 =	simm.s32 $0x2710;
	s16 =	simm.s32 $0x80;
	s17 =	simm.s32 $0x3  }
0x5: {  	s18 =	simm.s32 $0x2688;
	s19 =	simm.s32 $0x3710;
	s20 =	simm.s32 $0x8  }
0x6: {  	s21 =	simm.s32 $0x1380;
	s22 =	simm.s32 $0x3F10;
	s23 =	simm.s32 $0x2708  }
0x7: {  	s24 =	simm.s32 $0x0;
	s6 =	sand.u32 $0x1, s1;
	s31 =	sshll.u32 s0, $0x1  }
0x8: {  	s7 =	smul.u32 $0x2780, s0;
	[smem:$0x7FF] =	sst s4;
	s13 =	sshll.u32 s0, $0x6  }
0x9: {  	s8 =	sor.u32 s6, s31;
	s10 =	smul.u32 $0x27800, s6;
	_ =	strace $0x8000004D  }
0xa: {  	s6 =	ssub.s32 $0x2, s6;
	s13 =	sor.u32 $0x1C05, s13;
	s8 =	smul.u32 $0x1388, s8  }
0xb: {  	s9 =	sshrl.u32 s7, $0x3;
	s11 =	sshrl.u32 s6, $0x1;
	s14 =	sadd.s32 s7, s3  }
0xc: {  	s9 =	sadd.s32 s9, s5;
	s10 =	sadd.s32 s7, s10;
	s11 =	ssub.s32 s6, s11  }
0xd: {  	s14 =	sshrl.u32 s14, $0x3;
	s8 =	sshrl.u32 s8, $0x3;
	s10 =	sshrl.u32 s10, $0x3  }
0xe: {  	s6 =	sadd.s32 $0xC000, s9;
	s8 =	sadd.s32 s8, s5;
	s10 =	sadd.s32 s10, s5  }
0xf: {  	s5 =	sadd.s32 s7, s2;
	s7 =	sadd.s32 $0x2200, s8;
	s8 =	sadd.s32 $0x7020, s8  }
0x10: {  	v0 =	vimm.f32 $0.0e+00;
	s9 =	sadd.s32 $0x11000, s10;
	s10 =	smax.u32 s11, $0x1;
	s11 =	simm.s32 $0x4710  }
.LBB2_1:
0x11: {  	s25 =	simm.s32 $0x40;
	s26 =	simm.s32 $0x0  }
.LBB2_2:
0x12: {  	p0 =	sne.s32 s25, $0x9DC0;
	[tilespmem:s26+$0x4710] =	vst v0;
	s26 =	smov.u32 s25;
	s25 =	sadd.s32 $0x40, s25  }
.Ltmp0:
0x13: {  	(pc) =	sbr.rel @p0 .LBB2_2-.Ltmp0, $2  }
0x14: {  	_ =	sdelay $0x2  }
0x15: {  	s26 =	sshra.s32 s26, $0x2  }
0x16: {  	[tilespmem:s26+$0x4710] =	vst v0  }
0x17: {  	[spmem:s5] =	stream.linear.scatter [tilespmem:s11], [sflag:$0x5], $0x2780, $0x38;
	[tilespmem:$0xBD90] =	vst v63  }
0x18: {  	_ =	swait.ge [sflag:s12], $0x2780  }
0x19: {  	[sflag:s12] =	ssyncset.done $0x0  }
0x1a: {  	[sflag:s12] =	ssyncadd.s32 $0xFFFFD880  }
0x1b: {  	[spmem:s14], [sflag:s13] =	dma.local [hbm:s6], $0x4F0  }
0x1c: {  	_ =	swait.ge [sflag:s12], $0x4F0  }
0x1d: {  	[sflag:s12] =	ssyncset.done $0x0  }
0x1e: {  	[sflag:s12] =	ssyncadd.s32 $0xFFFFFB10  }
0x1f: {  	[tilespmem:s4], [sflag:$0x5] =	stream.linear.gather [hbm4b:s7+s4], $0x1388, $0x38;
	[tilespmem:$0xBD90] =	vst v63  }
0x20: {  	_ =	swait.ge [sflag:s12], $0x1388  }
0x21: {  	[sflag:s12] =	ssyncset.done $0x0  }
0x22: {  	s25 =	simm.s32 $0x1388;
	[sflag:s12] =	ssyncadd.s32 $0xFFFFEC78  }
0x23: {  	[tilespmem:s25], [sflag:$0x5] =	stream.linear.gather [hbm4b:s8+s4], $0x1388, $0x38;
	[tilespmem:$0xBD90] =	vst v63  }
0x24: {  	_ =	swait.ge [sflag:s12], $0x1388  }
0x25: {  	s0 =	simm.s32 $0x80;
	s28 =	simm.s32 $0x1;
	[sflag:s12] =	ssyncset.done $0x0  }
0x26: {  	s29 =	simm.s32 $0x0;
	s28 =	sand.u32 $0x3, s28;
	[sflag:s12] =	ssyncadd.s32 $0xFFFFEC78  }
0x27: {  	s29 =	sand.u32 $0x3, s29;
	s30 =	sshll.u32 s28, $0xB;
	[bflag:$0x0] =	sbarrier.arrive $0xFFFF  }
0x28: {  	[tilespmem:s15], [sflag:$0x1] =	stream.indirect.gather [spmem:s3], $0x10, s4, s0, $0xb8;
	[tilespmem:$0xBD90] =	vst v63  }
0x29: {  	s28 =	sadd.s32 $0x1, s28;
	s31 =	sadd.s32 $0x1, s29;
	s30 =	sor.u32 $0x2710, s30  }
0x2a: {  	[tilespmem:s30], [sflag:s28] =	stream.indirect.gather [spmem:s3], $0x10, s0, s16, $0xb8;
	[tilespmem:$0xBD90] =	vst v63  }
0x2b: {  	s1 =	sshll.u32 s29, $0xB;
	_ =	swait.ge [sflag:s31], $0x800  }
0x2c: {  	s29 =	simm.s32 $0x3;
	s28 =	simm.s32 $0x2;
	[sflag:s31] =	ssyncset.done $0x0  }
0x2d: {  	s26 =	sor.u32 $0x2710, s1;
	s30 =	sand.u32 $0x3, s28;
	[sflag:s31] =	ssyncadd.s32 $0xFFFFF800  }
0x2e: {  	[spmem:s2] =	stream.indirect.scatter.add.f32 [tilespmem:s26], [sflag:$0x5], $0x10, s25, s16, $0xb8;
	[tilespmem:$0xBD90] =	vst v63  }
0x2f: {  	s26 =	simm.s32 $0x100;
	s25 =	simm.s32 $0x1408;
	_ =	swait.ge [sflag:s12], $0x800  }
.LBB2_4:
0x30: {  	s31 =	sadd.s32 $0xFFFFFFFF, s28;
	s1 =	sshll.u32 s30, $0xB  }
0x31: {  	[sflag:s12] =	ssyncset.done $0x0;
	s28 =	smov.u32 s29;
	s30 =	sadd.s32 $0x1, s30  }
0x32: {  	p0 =	sne.s32 s29, $0x26;
	s1 =	sor.u32 $0x2710, s1;
	s31 =	sand.u32 $0x3, s31  }
0x33: {  	s0 =	sshll.u32 s31, $0xB;
	s31 =	sadd.s32 $0x1, s31;
	[sflag:s12] =	ssyncadd.s32 $0xFFFFF800  }
0x34: {  	[tilespmem:s1], [sflag:s30] =	stream.indirect.gather [spmem:s3], $0x10, s26, s16, $0xb8;
	[tilespmem:$0xBD90] =	vst v63  }
.Ltmp1:
0x35: {  	s1 =	sadd.s32 $0x1, s29;
	_ =	swait.ge [sflag:s31], $0x800;
	(pc) =	sbr.rel @p0 .LBB2_4-.Ltmp1, $4  }
0x36: {  	s0 =	sor.u32 $0x2710, s0;
	[sflag:s31] =	ssyncset.done $0x0  }
0x37: {  	s26 =	sadd.s32 $0x80, s26;
	s30 =	sand.u32 $0x3, s28;
	[sflag:s31] =	ssyncadd.s32 $0xFFFFF800  }
0x38: {  	[spmem:s2] =	stream.indirect.scatter.add.f32 [tilespmem:s0], [sflag:$0x5], $0x10, s25, s16, $0xb8;
	[tilespmem:$0xBD90] =	vst v63  }
0x39: {  	s29 =	smov.u32 s1;
	s25 =	sadd.s32 $0x80, s25;
	_ =	swait.ge [sflag:s12], $0x800  }
0x3a: {  	s0 =	sadd.s32 $0xFFFFFFFF, s28;
	s1 =	sshll.u32 s30, $0xB  }
0x3b: {  	[sflag:s12] =	ssyncset.done $0x0;
	s30 =	sadd.s32 $0x1, s30;
	s0 =	sand.u32 $0x3, s0  }
0x3c: {  	s1 =	sor.u32 $0x2710, s1;
	[sflag:s12] =	ssyncadd.s32 $0xFFFFF800;
	s29 =	sadd.s32 $0x1, s0  }
0x3d: {  	[tilespmem:s1], [sflag:s30] =	stream.indirect.gather [spmem:s3], $0x10, s26, s16, $0xb8;
	[tilespmem:$0xBD90] =	vst v63  }
0x3e: {  	_ =	swait.ge [sflag:s29], $0x800  }
0x3f: {  	s0 =	sshll.u32 s0, $0xB;
	[sflag:s29] =	ssyncset.done $0x0  }
0x40: {  	s0 =	sor.u32 $0x2710, s0;
	[sflag:s29] =	ssyncadd.s32 $0xFFFFF800  }
0x41: {  	[spmem:s2] =	stream.indirect.scatter.add.f32 [tilespmem:s0], [sflag:$0x5], $0x10, s25, s16, $0xb8;
	[tilespmem:$0xBD90] =	vst v63  }
0x42: {  	_ =	swait.ge [sflag:s12], $0x800  }
0x43: {  	[sflag:s12] =	ssyncset.done $0x0  }
0x44: {  	[sflag:s12] =	ssyncadd.s32 $0xFFFFF800  }
0x45: {  	_ =	swait.ge [sflag:s17], $0x800  }
0x46: {  	[sflag:s17] =	ssyncset.done $0x0  }
0x47: {  	[sflag:s17] =	ssyncadd.s32 $0xFFFFF800  }
0x48: {  	[spmem:s2] =	stream.indirect.scatter.add.f32 [tilespmem:s19], [sflag:$0x5], $0x10, s18, s16, $0xb8;
	[tilespmem:$0xBD90] =	vst v63  }
0x49: {  	_ =	swait.ge [sflag:s12], $0x800  }
0x4a: {  	[sflag:s12] =	ssyncset.done $0x0  }
0x4b: {  	[sflag:s12] =	ssyncadd.s32 $0xFFFFF800  }
0x4c: {  	[tilespmem:s22], [sflag:$0x5] =	stream.indirect.gather [spmem:s3], $0x10, s21, s20, $0xb8;
	[tilespmem:$0xBD90] =	vst v63  }
0x4d: {  	_ =	swait.ge [sflag:s12], $0x80  }
0x4e: {  	[sflag:s12] =	ssyncset.done $0x0  }
0x4f: {  	[sflag:s12] =	ssyncadd.s32 $0xFFFFFF80  }
0x50: {  	[spmem:s2] =	stream.indirect.scatter.add.f32 [tilespmem:s22], [sflag:$0x5], $0x10, s23, s20, $0xb8;
	[tilespmem:$0xBD90] =	vst v63  }
0x51: {  	_ =	swait.ge [sflag:s12], $0x80  }
0x52: {  	s24 =	sadd.s32 $0x1, s24;
	[sflag:s12] =	ssyncset.done $0x0  }
0x53: {  	p0 =	sne.s32 s24, s10;
	[sflag:s12] =	ssyncadd.s32 $0xFFFFFF80  }
.Ltmp2:
0x54: {  	s31 =	sshrl.u32 s5, $0x3;
	[bflag:$0x0] =	sbarrier.arrive $0xFFFF;
	(pc) =	sbr.rel @p0 .LBB2_1-.Ltmp2, $4  }
0x55: {  	[hbm:s9], [sflag:s13] =	dma.local [spmem:s31], $0x4F0  }
0x56: {  	_ =	swait.ge [sflag:s12], $0x4F0  }
0x57: {  	[sflag:s12] =	ssyncset.done $0x0  }
0x58: {  	[sflag:s12] =	ssyncadd.s32 $0xFFFFFB10  }
0x59: {  	_ =	sfence.sel $0x180000  }
0x5a: {  	[bflag:$0x0] =	sbarrier.arrive $0xFFFF  }
0x5b: {  	_ =	strace $0x9000004D  }
0x5c: {  	s0 =	stileid.u32;
	[bflag:$0x2] =	sbarrier.arrive $0xFFFF  }
0x5d: {  	p0 =	sne.s32 s0, $0x0;
	s0 =	rddreg [dreg:$0x3]  }
0x5e: {  	s0 =	sadd.s32 @!p0 $0x100000, s0  }
0x5f: {  	[sflag:s0] =	ssyncadd.tile.s32 @!p0 $0x1;
	_ =	shalt  }
.Lfunc_end2:
_tile_overlayer_lowered:
.L_overlay_start_2:
0x60: {  	(tag) =	ssettag $0x2  }
0x61: {  	s0 =	rddreg [dreg:$0x0];
	s2 =	stileid.u32  }
0x62: {  	s1 =	rddreg [dreg:$0x1];
	p0 =	sne.s32 s2, $0x0  }
0x63: {  	s3 =	rddreg [dreg:$0x2];
	[bflag:$0x3] =	sbarrier.arrive $0xFFFF;
	s2 =	simm.s32 @!p0 $0x1C05  }
0x64: {  	[timem:s3], [sflag:s2] =	dma.local @!p0 [hbm:s0], s1  }
0x65: {  	s0 =	simm.s32 @!p0 $0x5  }
0x66: {  	_ =	swait.ge @!p0 [sflag:s0], s1  }
0x67: {  	s1 =	ssub.s32 @!p0 $0x0, s1;
	[sflag:s0] =	ssyncset.done @!p0 $0x0  }
0x68: {  	[sflag:s0] =	ssyncadd.s32 @!p0 s1  }
0x69: {  	[bflag:$0x3] =	sbarrier.arrive $0xFFFF  }
0x6a: {  	_ =	shalt  }

</sc_bundles>
